<compile_context>
chip_gen: v7x
topology: tpu7x:2x2x1
jax: 0.10.2.dev20260603
libtpu: 0.0.44.dev20260713+nightly
codegen_flags: <defaults>
</compile_context>

<pallas_src>
import jax
import jax.numpy as jnp
from jax import lax
from jax.experimental import pallas as pl
from jax.experimental.pallas import tpu as pltpu
from jax.experimental.pallas import tpu_sc as plsc

VOCAB = 32000
D = 768
SEQ = 200
BATCH = 1024

NC = 2
NS = 16
NW = NC * NS

TOKENS = BATCH * SEQ
CHUNK = 40
NTASK = TOKENS // CHUNK
TASKS_PER_W = NTASK // NW
LANES = 16
VECS_PER_ROW = D // LANES


def _emb_body(table, idx, pos, out, shared_pos, idx_v, pos_v, rows_v, sem):
    cid = lax.axis_index("c")
    sid = lax.axis_index("s")
    wid = sid * NC + cid

    @pl.when(sid == 0)
    def _():
        pltpu.sync_copy(pos, shared_pos)

    plsc.subcore_barrier()

    def task(k, carry):
        t = wid * TASKS_PER_W + k
        base = t * CHUNK
        l0 = lax.rem(base, SEQ)
        pltpu.sync_copy(idx.at[pl.ds(base, CHUNK)], idx_v)
        gather = pltpu.async_copy(table.at[idx_v], rows_v, sem)
        pltpu.sync_copy(shared_pos.at[pl.ds(l0, CHUNK)], pos_v)
        gather.wait()

        def add_row(r, c2):
            for c in range(VECS_PER_ROW):
                sl = pl.ds(c * LANES, LANES)
                rows_v[r, sl] = rows_v[r, sl] + pos_v[r, sl]
            return c2

        lax.fori_loop(0, CHUNK, add_row, 0)
        pltpu.sync_copy(rows_v, out.at[pl.ds(base, CHUNK)])
        return carry

    lax.fori_loop(0, TASKS_PER_W, task, 0)


@jax.jit
def kernel(token_ids, tok_embed, pos_embed):
    ids_flat = token_ids.reshape(-1).astype(jnp.int32)
    pos2d = pos_embed[0, :SEQ, :]

    mesh = plsc.VectorSubcoreMesh(core_axis_name="c", subcore_axis_name="s")
    out = pl.kernel(
        _emb_body,
        out_type=jax.ShapeDtypeStruct((TOKENS, D), jnp.float32),
        mesh=mesh,
        scratch_types=[
            pltpu.VMEM_SHARED((SEQ, D), jnp.float32),
            pltpu.VMEM((CHUNK,), jnp.int32),
            pltpu.VMEM((CHUNK, D), jnp.float32),
            pltpu.VMEM((CHUNK, D), jnp.float32),
            pltpu.SemaphoreType.DMA,
        ],
    )(tok_embed, ids_flat, pos2d)
    return out.reshape(BATCH, SEQ, D)

# --- scband reference (transcript-rebuilt; emitter-appended) ---
"""Pipeline reference for scband-language-embedding-69209103007998 (READ-ONLY COPY).

The authoritative reference and input builder live on the scoring server;
editing this copy changes nothing except your own understanding.
"""

import jax, jax.numpy as jnp
import numpy as np

VOCAB = 32000
D_MODEL = 768
MAX_LEN = 256
BATCH = 1024
SEQ = 200


def setup_inputs(seed: int = 0) -> dict:
    key = jax.random.key(seed)
    k_ids, k_tok, k_pos = jax.random.split(key, 3)
    token_ids = jax.random.randint(k_ids, (BATCH, SEQ), 0, VOCAB, dtype=jnp.int64 if jax.config.jax_enable_x64 else jnp.int32)
    tok_embed = jax.random.normal(k_tok, (VOCAB, D_MODEL), dtype=jnp.float32)
    # trunc_normal_(std=0.02) approximated by clipped normal * 0.02
    pos_embed = jnp.clip(jax.random.normal(k_pos, (1, MAX_LEN, D_MODEL), dtype=jnp.float32), -2.0, 2.0) * 0.02
    return {"token_ids": token_ids, "tok_embed": tok_embed, "pos_embed": pos_embed}


def reference(token_ids, tok_embed, pos_embed):
    # tok_embed(token_ids) -> gather rows; + pos_embed[:, :L]
    L = token_ids.shape[1]
    emb = jnp.take(tok_embed, token_ids, axis=0)  # [B, L, D]
    return emb + pos_embed[:, :L]

if __name__ == "__main__":
    import jax
    _d = setup_inputs()
    print(jax.jit(kernel)(*tuple(_d.values())))

</pallas_src>

<mosaic_0001>
#map = affine_map<(d0, d1) -> (0, 0)>
#map1 = affine_map<(d0, d1) -> (0)>
module attributes {stable_mosaic.version = 14 : i64} {
  func.func @_emb_body(%arg0: i32, %arg1: i32, %arg2: memref<32000x768xf32, #tpu.memory_space<hbm>>, %arg3: memref<204800xi32, #tpu.memory_space<hbm>>, %arg4: memref<200x768xf32, #tpu.memory_space<hbm>>, %arg5: memref<204800x768xf32, #tpu.memory_space<hbm>>, %arg6: memref<200x768xf32, #tpu.memory_space<vmem_shared>>, %arg7: memref<40xi32, #tpu.memory_space<vmem>>, %arg8: memref<40x768xf32, #tpu.memory_space<vmem>>, %arg9: memref<40x768xf32, #tpu.memory_space<vmem>>, %arg10: memref<!tpu.dma_semaphore, #tpu.memory_space<semaphore_mem>>) attributes {dimension_semantics = [#tpu.dimension_semantics<core_parallel>, #tpu.dimension_semantics<subcore_parallel>], iteration_bounds = array<i64: 2, 16>, scalar_prefetch = 0 : i64, scratch_operands = 5 : i64, tpu.core_type = #tpu.core_type<sc_vector_subcore>, window_params = [{transform_indices = #map}, {transform_indices = #map1}, {transform_indices = #map}, {transform_indices = #map}]} {
    %mul3A = arith.constant 2 : i32
    %mul3A_0 = arith.muli %arg1, %mul3A : i32
    %add3A = arith.addi %mul3A_0, %arg0 : i32
    %eq3A = arith.constant 0 : i32
    %eq3A_1 = arith.cmpi eq, %arg1, %eq3A : i32
    %convert_element_type3A = arith.extui %eq3A_1 : i1 to i32
    %cond3A = arith.constant 0 : i32
    %cond3A_2 = arith.cmpi ne, %convert_element_type3A, %cond3A : i32
    scf.if %cond3A_2 {
      "tpu.region"() ({
        %run_scoped3A = tpu.sem_alloc : memref<!tpu.dma_semaphore, #tpu.memory_space<semaphore_mem>>
        tpu.enqueue_dma source(%arg4 : memref<200x768xf32, #tpu.memory_space<hbm>>) target(%arg6 : memref<200x768xf32, #tpu.memory_space<vmem_shared>>) target_semaphore(%run_scoped3A : memref<!tpu.dma_semaphore, #tpu.memory_space<semaphore_mem>>)
        tpu.wait_dma2 semaphore(%run_scoped3A : memref<!tpu.dma_semaphore, #tpu.memory_space<semaphore_mem>>) src(%arg4 : memref<200x768xf32, #tpu.memory_space<hbm>>) dst(%arg6 : memref<200x768xf32, #tpu.memory_space<vmem_shared>>)
        tpu.yield
      }) : () -> ()
    } else {
    }
    %barrier3A = arith.constant 0 : index
    tpu.barrier barrier_id(%barrier3A)
    %scan3A = arith.constant 0 : i32
    %scan3A_3 = arith.constant 0 : i32
    %scan3A_4 = arith.constant 160 : i32
    %scan3A_5 = arith.addi %scan3A_3, %scan3A_4 : i32
    %scan3A_6 = arith.constant 1 : i32
    scf.for %scan3A_8 = %scan3A_3 to %scan3A_5 step %scan3A_6  : i32 {
      %mul3A_9 = arith.constant 160 : i32
      %mul3A_10 = arith.muli %add3A, %mul3A_9 : i32
      %add3A_11 = arith.addi %mul3A_10, %scan3A_8 : i32
      %mul3A_12 = arith.constant 40 : i32
      %mul3A_13 = arith.muli %add3A_11, %mul3A_12 : i32
      %rem3A = arith.constant 200 : i32
      %rem3A_14 = arith.remsi %mul3A_13, %rem3A : i32
      "tpu.region"() ({
        %run_scoped3A = tpu.sem_alloc : memref<!tpu.dma_semaphore, #tpu.memory_space<semaphore_mem>>
        %dma_start3A_25 = tpu.memref_slice %arg3[%mul3A_13] : memref<204800xi32, #tpu.memory_space<hbm>> -> memref<40xi32, #tpu.memory_space<hbm>>
        %dma_start3A_26 = tpu.memref_slice %arg3[%mul3A_13] : memref<204800xi32, #tpu.memory_space<hbm>> -> memref<40xi32, #tpu.memory_space<hbm>>
        tpu.enqueue_dma source(%dma_start3A_26 : memref<40xi32, #tpu.memory_space<hbm>>) target(%arg7 : memref<40xi32, #tpu.memory_space<vmem>>) target_semaphore(%run_scoped3A : memref<!tpu.dma_semaphore, #tpu.memory_space<semaphore_mem>>)
        %dma_wait3A_27 = tpu.memref_slice %arg3[%mul3A_13] : memref<204800xi32, #tpu.memory_space<hbm>> -> memref<40xi32, #tpu.memory_space<hbm>>
        %dma_wait3A_28 = tpu.memref_slice %arg3[%mul3A_13] : memref<204800xi32, #tpu.memory_space<hbm>> -> memref<40xi32, #tpu.memory_space<hbm>>
        tpu.wait_dma2 semaphore(%run_scoped3A : memref<!tpu.dma_semaphore, #tpu.memory_space<semaphore_mem>>) src(%dma_wait3A_28 : memref<40xi32, #tpu.memory_space<hbm>>) dst(%arg7 : memref<40xi32, #tpu.memory_space<vmem>>)
        tpu.yield
      }) : () -> ()
      %dma_start3A = arith.constant 0 : i32
      %dma_start3A_15 = arith.constant 0 : i32
      %dma_start3A_16 = tpu.memref_slice %arg2[%dma_start3A, %dma_start3A_15] : memref<32000x768xf32, #tpu.memory_space<hbm>> -> memref<32000x768xf32, #tpu.memory_space<hbm>>
      tpu.enqueue_indirect_dma source(%dma_start3A_16 : memref<32000x768xf32, #tpu.memory_space<hbm>>) target(%arg9 : memref<40x768xf32, #tpu.memory_space<vmem>>) offsets(%arg7 : memref<40xi32, #tpu.memory_space<vmem>>) semaphore(%arg10 : memref<!tpu.dma_semaphore, #tpu.memory_space<semaphore_mem>>)
      "tpu.region"() ({
        %run_scoped3A = tpu.sem_alloc : memref<!tpu.dma_semaphore, #tpu.memory_space<semaphore_mem>>
        %dma_start3A_25 = arith.constant 0 : i32
        %dma_start3A_26 = tpu.memref_slice %arg6[%rem3A_14, %dma_start3A_25] : memref<200x768xf32, #tpu.memory_space<vmem_shared>> -> memref<40x768xf32, #tpu.memory_space<vmem_shared>>
        %dma_start3A_27 = arith.constant 0 : i32
        %dma_start3A_28 = tpu.memref_slice %arg6[%rem3A_14, %dma_start3A_27] : memref<200x768xf32, #tpu.memory_space<vmem_shared>> -> memref<40x768xf32, #tpu.memory_space<vmem_shared>>
        tpu.enqueue_dma source(%dma_start3A_28 : memref<40x768xf32, #tpu.memory_space<vmem_shared>>) target(%arg8 : memref<40x768xf32, #tpu.memory_space<vmem>>) target_semaphore(%run_scoped3A : memref<!tpu.dma_semaphore, #tpu.memory_space<semaphore_mem>>)
        %dma_wait3A_29 = arith.constant 0 : i32
        %dma_wait3A_30 = tpu.memref_slice %arg6[%rem3A_14, %dma_wait3A_29] : memref<200x768xf32, #tpu.memory_space<vmem_shared>> -> memref<40x768xf32, #tpu.memory_space<vmem_shared>>
        %dma_wait3A_31 = arith.constant 0 : i32
        %dma_wait3A_32 = tpu.memref_slice %arg6[%rem3A_14, %dma_wait3A_31] : memref<200x768xf32, #tpu.memory_space<vmem_shared>> -> memref<40x768xf32, #tpu.memory_space<vmem_shared>>
        tpu.wait_dma2 semaphore(%run_scoped3A : memref<!tpu.dma_semaphore, #tpu.memory_space<semaphore_mem>>) src(%dma_wait3A_32 : memref<40x768xf32, #tpu.memory_space<vmem_shared>>) dst(%arg8 : memref<40x768xf32, #tpu.memory_space<vmem>>)
        tpu.yield
      }) : () -> ()
      %dma_wait3A = arith.constant 0 : i32
      %dma_wait3A_17 = arith.constant 0 : i32
      %dma_wait3A_18 = tpu.memref_slice %arg2[%dma_wait3A, %dma_wait3A_17] : memref<32000x768xf32, #tpu.memory_space<hbm>> -> memref<32000x768xf32, #tpu.memory_space<hbm>>
      tpu.wait_indirect_dma semaphore(%arg10 : memref<!tpu.dma_semaphore, #tpu.memory_space<semaphore_mem>>) src(%dma_wait3A_18 : memref<32000x768xf32, #tpu.memory_space<hbm>>) dst(%arg9 : memref<40x768xf32, #tpu.memory_space<vmem>>)
      %scan3A_19 = arith.constant 0 : i32
      %scan3A_20 = arith.constant 0 : i32
      %scan3A_21 = arith.constant 40 : i32
      %scan3A_22 = arith.addi %scan3A_20, %scan3A_21 : i32
      %scan3A_23 = arith.constant 1 : i32
      scf.for %scan3A_25 = %scan3A_20 to %scan3A_22 step %scan3A_23  : i32 {
        %get3A = arith.index_cast %scan3A_25 : i32 to index
        %get3A_26 = arith.constant 0 : index
        %get3A_27 = tpu.vector_load %arg9[%get3A, %get3A_26] {strides = array<i32>} : memref<40x768xf32, #tpu.memory_space<vmem>>, vector<1x16xf32>,
        %get3A_28 = vector.shape_cast %get3A_27 : vector<1x16xf32> to vector<16xf32>
        %get3A_29 = arith.index_cast %scan3A_25 : i32 to index
        %get3A_30 = arith.constant 0 : index
        %get3A_31 = tpu.vector_load %arg8[%get3A_29, %get3A_30] {strides = array<i32>} : memref<40x768xf32, #tpu.memory_space<vmem>>, vector<1x16xf32>,
        %get3A_32 = vector.shape_cast %get3A_31 : vector<1x16xf32> to vector<16xf32>
        %add3A_33 = arith.addf %get3A_28, %get3A_32 : vector<16xf32>
        %swap3A = arith.index_cast %scan3A_25 : i32 to index
        %swap3A_34 = arith.constant 0 : index
        %swap3A_35 = tpu.vector_load %arg9[%swap3A, %swap3A_34] {strides = array<i32>} : memref<40x768xf32, #tpu.memory_space<vmem>>, vector<1x16xf32>,
        %swap3A_36 = vector.shape_cast %swap3A_35 : vector<1x16xf32> to vector<16xf32>
        %swap3A_37 = vector.shape_cast %add3A_33 : vector<16xf32> to vector<1x16xf32>
        tpu.vector_store %arg9[%swap3A, %swap3A_34], %swap3A_37 {strides = array<i32>} : memref<40x768xf32, #tpu.memory_space<vmem>>, vector<1x16xf32>,
        %get3A_38 = arith.index_cast %scan3A_25 : i32 to index
        %get3A_39 = arith.constant 16 : index
        %get3A_40 = tpu.vector_load %arg9[%get3A_38, %get3A_39] {strides = array<i32>} : memref<40x768xf32, #tpu.memory_space<vmem>>, vector<1x16xf32>,
        %get3A_41 = vector.shape_cast %get3A_40 : vector<1x16xf32> to vector<16xf32>
        %get3A_42 = arith.index_cast %scan3A_25 : i32 to index
        %get3A_43 = arith.constant 16 : index
        %get3A_44 = tpu.vector_load %arg8[%get3A_42, %get3A_43] {strides = array<i32>} : memref<40x768xf32, #tpu.memory_space<vmem>>, vector<1x16xf32>,
        %get3A_45 = vector.shape_cast %get3A_44 : vector<1x16xf32> to vector<16xf32>
        %add3A_46 = arith.addf %get3A_41, %get3A_45 : vector<16xf32>
        %swap3A_47 = arith.index_cast %scan3A_25 : i32 to index
        %swap3A_48 = arith.constant 16 : index
        %swap3A_49 = tpu.vector_load %arg9[%swap3A_47, %swap3A_48] {strides = array<i32>} : memref<40x768xf32, #tpu.memory_space<vmem>>, vector<1x16xf32>,
        %swap3A_50 = vector.shape_cast %swap3A_49 : vector<1x16xf32> to vector<16xf32>
        %swap3A_51 = vector.shape_cast %add3A_46 : vector<16xf32> to vector<1x16xf32>
        tpu.vector_store %arg9[%swap3A_47, %swap3A_48], %swap3A_51 {strides = array<i32>} : memref<40x768xf32, #tpu.memory_space<vmem>>, vector<1x16xf32>,
        %get3A_52 = arith.index_cast %scan3A_25 : i32 to index
        %get3A_53 = arith.constant 32 : index
        %get3A_54 = tpu.vector_load %arg9[%get3A_52, %get3A_53] {strides = array<i32>} : memref<40x768xf32, #tpu.memory_space<vmem>>, vector<1x16xf32>,
        %get3A_55 = vector.shape_cast %get3A_54 : vector<1x16xf32> to vector<16xf32>
        %get3A_56 = arith.index_cast %scan3A_25 : i32 to index
        %get3A_57 = arith.constant 32 : index
        %get3A_58 = tpu.vector_load %arg8[%get3A_56, %get3A_57] {strides = array<i32>} : memref<40x768xf32, #tpu.memory_space<vmem>>, vector<1x16xf32>,
        %get3A_59 = vector.shape_cast %get3A_58 : vector<1x16xf32> to vector<16xf32>
        %add3A_60 = arith.addf %get3A_55, %get3A_59 : vector<16xf32>
        %swap3A_61 = arith.index_cast %scan3A_25 : i32 to index
        %swap3A_62 = arith.constant 32 : index
        %swap3A_63 = tpu.vector_load %arg9[%swap3A_61, %swap3A_62] {strides = array<i32>} : memref<40x768xf32, #tpu.memory_space<vmem>>, vector<1x16xf32>,
        %swap3A_64 = vector.shape_cast %swap3A_63 : vector<1x16xf32> to vector<16xf32>
        %swap3A_65 = vector.shape_cast %add3A_60 : vector<16xf32> to vector<1x16xf32>
        tpu.vector_store %arg9[%swap3A_61, %swap3A_62], %swap3A_65 {strides = array<i32>} : memref<40x768xf32, #tpu.memory_space<vmem>>, vector<1x16xf32>,
        %get3A_66 = arith.index_cast %scan3A_25 : i32 to index
        %get3A_67 = arith.constant 48 : index
        %get3A_68 = tpu.vector_load %arg9[%get3A_66, %get3A_67] {strides = array<i32>} : memref<40x768xf32, #tpu.memory_space<vmem>>, vector<1x16xf32>,
        %get3A_69 = vector.shape_cast %get3A_68 : vector<1x16xf32> to vector<16xf32>
        %get3A_70 = arith.index_cast %scan3A_25 : i32 to index
        %get3A_71 = arith.constant 48 : index
        %get3A_72 = tpu.vector_load %arg8[%get3A_70, %get3A_71] {strides = array<i32>} : memref<40x768xf32, #tpu.memory_space<vmem>>, vector<1x16xf32>,
        %get3A_73 = vector.shape_cast %get3A_72 : vector<1x16xf32> to vector<16xf32>
        %add3A_74 = arith.addf %get3A_69, %get3A_73 : vector<16xf32>
        %swap3A_75 = arith.index_cast %scan3A_25 : i32 to index
        %swap3A_76 = arith.constant 48 : index
        %swap3A_77 = tpu.vector_load %arg9[%swap3A_75, %swap3A_76] {strides = array<i32>} : memref<40x768xf32, #tpu.memory_space<vmem>>, vector<1x16xf32>,
        %swap3A_78 = vector.shape_cast %swap3A_77 : vector<1x16xf32> to vector<16xf32>
        %swap3A_79 = vector.shape_cast %add3A_74 : vector<16xf32> to vector<1x16xf32>
        tpu.vector_store %arg9[%swap3A_75, %swap3A_76], %swap3A_79 {strides = array<i32>} : memref<40x768xf32, #tpu.memory_space<vmem>>, vector<1x16xf32>,
        %get3A_80 = arith.index_cast %scan3A_25 : i32 to index
        %get3A_81 = arith.constant 64 : index
        %get3A_82 = tpu.vector_load %arg9[%get3A_80, %get3A_81] {strides = array<i32>} : memref<40x768xf32, #tpu.memory_space<vmem>>, vector<1x16xf32>,
        %get3A_83 = vector.shape_cast %get3A_82 : vector<1x16xf32> to vector<16xf32>
        %get3A_84 = arith.index_cast %scan3A_25 : i32 to index
        %get3A_85 = arith.constant 64 : index
        %get3A_86 = tpu.vector_load %arg8[%get3A_84, %get3A_85] {strides = array<i32>} : memref<40x768xf32, #tpu.memory_space<vmem>>, vector<1x16xf32>,
        %get3A_87 = vector.shape_cast %get3A_86 : vector<1x16xf32> to vector<16xf32>
        %add3A_88 = arith.addf %get3A_83, %get3A_87 : vector<16xf32>
        %swap3A_89 = arith.index_cast %scan3A_25 : i32 to index
        %swap3A_90 = arith.constant 64 : index
        %swap3A_91 = tpu.vector_load %arg9[%swap3A_89, %swap3A_90] {strides = array<i32>} : memref<40x768xf32, #tpu.memory_space<vmem>>, vector<1x16xf32>,
        %swap3A_92 = vector.shape_cast %swap3A_91 : vector<1x16xf32> to vector<16xf32>
        %swap3A_93 = vector.shape_cast %add3A_88 : vector<16xf32> to vector<1x16xf32>
        tpu.vector_store %arg9[%swap3A_89, %swap3A_90], %swap3A_93 {strides = array<i32>} : memref<40x768xf32, #tpu.memory_space<vmem>>, vector<1x16xf32>,
        %get3A_94 = arith.index_cast %scan3A_25 : i32 to index
        %get3A_95 = arith.constant 80 : index
        %get3A_96 = tpu.vector_load %arg9[%get3A_94, %get3A_95] {strides = array<i32>} : memref<40x768xf32, #tpu.memory_space<vmem>>, vector<1x16xf32>,
        %get3A_97 = vector.shape_cast %get3A_96 : vector<1x16xf32> to vector<16xf32>
        %get3A_98 = arith.index_cast %scan3A_25 : i32 to index
        %get3A_99 = arith.constant 80 : index
        %get3A_100 = tpu.vector_load %arg8[%get3A_98, %get3A_99] {strides = array<i32>} : memref<40x768xf32, #tpu.memory_space<vmem>>, vector<1x16xf32>,
        %get3A_101 = vector.shape_cast %get3A_100 : vector<1x16xf32> to vector<16xf32>
        %add3A_102 = arith.addf %get3A_97, %get3A_101 : vector<16xf32>
        %swap3A_103 = arith.index_cast %scan3A_25 : i32 to index
        %swap3A_104 = arith.constant 80 : index
        %swap3A_105 = tpu.vector_load %arg9[%swap3A_103, %swap3A_104] {strides = array<i32>} : memref<40x768xf32, #tpu.memory_space<vmem>>, vector<1x16xf32>,
        %swap3A_106 = vector.shape_cast %swap3A_105 : vector<1x16xf32> to vector<16xf32>
        %swap3A_107 = vector.shape_cast %add3A_102 : vector<16xf32> to vector<1x16xf32>
        tpu.vector_store %arg9[%swap3A_103, %swap3A_104], %swap3A_107 {strides = array<i32>} : memref<40x768xf32, #tpu.memory_space<vmem>>, vector<1x16xf32>,
        %get3A_108 = arith.index_cast %scan3A_25 : i32 to index
        %get3A_109 = arith.constant 96 : index
        %get3A_110 = tpu.vector_load %arg9[%get3A_108, %get3A_109] {strides = array<i32>} : memref<40x768xf32, #tpu.memory_space<vmem>>, vector<1x16xf32>,
        %get3A_111 = vector.shape_cast %get3A_110 : vector<1x16xf32> to vector<16xf32>
        %get3A_112 = arith.index_cast %scan3A_25 : i32 to index
        %get3A_113 = arith.constant 96 : index
        %get3A_114 = tpu.vector_load %arg8[%get3A_112, %get3A_113] {strides = array<i32>} : memref<40x768xf32, #tpu.memory_space<vmem>>, vector<1x16xf32>,
        %get3A_115 = vector.shape_cast %get3A_114 : vector<1x16xf32> to vector<16xf32>
        %add3A_116 = arith.addf %get3A_111, %get3A_115 : vector<16xf32>
        %swap3A_117 = arith.index_cast %scan3A_25 : i32 to index
        %swap3A_118 = arith.constant 96 : index
        %swap3A_119 = tpu.vector_load %arg9[%swap3A_117, %swap3A_118] {strides = array<i32>} : memref<40x768xf32, #tpu.memory_space<vmem>>, vector<1x16xf32>,
        %swap3A_120 = vector.shape_cast %swap3A_119 : vector<1x16xf32> to vector<16xf32>
        %swap3A_121 = vector.shape_cast %add3A_116 : vector<16xf32> to vector<1x16xf32>
        tpu.vector_store %arg9[%swap3A_117, %swap3A_118], %swap3A_121 {strides = array<i32>} : memref<40x768xf32, #tpu.memory_space<vmem>>, vector<1x16xf32>,
        %get3A_122 = arith.index_cast %scan3A_25 : i32 to index
        %get3A_123 = arith.constant 112 : index
        %get3A_124 = tpu.vector_load %arg9[%get3A_122, %get3A_123] {strides = array<i32>} : memref<40x768xf32, #tpu.memory_space<vmem>>, vector<1x16xf32>,
        %get3A_125 = vector.shape_cast %get3A_124 : vector<1x16xf32> to vector<16xf32>
        %get3A_126 = arith.index_cast %scan3A_25 : i32 to index
        %get3A_127 = arith.constant 112 : index
        %get3A_128 = tpu.vector_load %arg8[%get3A_126, %get3A_127] {strides = array<i32>} : memref<40x768xf32, #tpu.memory_space<vmem>>, vector<1x16xf32>,
        %get3A_129 = vector.shape_cast %get3A_128 : vector<1x16xf32> to vector<16xf32>
        %add3A_130 = arith.addf %get3A_125, %get3A_129 : vector<16xf32>
        %swap3A_131 = arith.index_cast %scan3A_25 : i32 to index
        %swap3A_132 = arith.constant 112 : index
        %swap3A_133 = tpu.vector_load %arg9[%swap3A_131, %swap3A_132] {strides = array<i32>} : memref<40x768xf32, #tpu.memory_space<vmem>>, vector<1x16xf32>,
        %swap3A_134 = vector.shape_cast %swap3A_133 : vector<1x16xf32> to vector<16xf32>
        %swap3A_135 = vector.shape_cast %add3A_130 : vector<16xf32> to vector<1x16xf32>
        tpu.vector_store %arg9[%swap3A_131, %swap3A_132], %swap3A_135 {strides = array<i32>} : memref<40x768xf32, #tpu.memory_space<vmem>>, vector<1x16xf32>,
        %get3A_136 = arith.index_cast %scan3A_25 : i32 to index
        %get3A_137 = arith.constant 128 : index
        %get3A_138 = tpu.vector_load %arg9[%get3A_136, %get3A_137] {strides = array<i32>} : memref<40x768xf32, #tpu.memory_space<vmem>>, vector<1x16xf32>,
        %get3A_139 = vector.shape_cast %get3A_138 : vector<1x16xf32> to vector<16xf32>
        %get3A_140 = arith.index_cast %scan3A_25 : i32 to index
        %get3A_141 = arith.constant 128 : index
        %get3A_142 = tpu.vector_load %arg8[%get3A_140, %get3A_141] {strides = array<i32>} : memref<40x768xf32, #tpu.memory_space<vmem>>, vector<1x16xf32>,
        %get3A_143 = vector.shape_cast %get3A_142 : vector<1x16xf32> to vector<16xf32>
        %add3A_144 = arith.addf %get3A_139, %get3A_143 : vector<16xf32>
        %swap3A_145 = arith.index_cast %scan3A_25 : i32 to index
        %swap3A_146 = arith.constant 128 : index
        %swap3A_147 = tpu.vector_load %arg9[%swap3A_145, %swap3A_146] {strides = array<i32>} : memref<40x768xf32, #tpu.memory_space<vmem>>, vector<1x16xf32>,
        %swap3A_148 = vector.shape_cast %swap3A_147 : vector<1x16xf32> to vector<16xf32>
        %swap3A_149 = vector.shape_cast %add3A_144 : vector<16xf32> to vector<1x16xf32>
        tpu.vector_store %arg9[%swap3A_145, %swap3A_146], %swap3A_149 {strides = array<i32>} : memref<40x768xf32, #tpu.memory_space<vmem>>, vector<1x16xf32>,
        %get3A_150 = arith.index_cast %scan3A_25 : i32 to index
        %get3A_151 = arith.constant 144 : index
        %get3A_152 = tpu.vector_load %arg9[%get3A_150, %get3A_151] {strides = array<i32>} : memref<40x768xf32, #tpu.memory_space<vmem>>, vector<1x16xf32>,
        %get3A_153 = vector.shape_cast %get3A_152 : vector<1x16xf32> to vector<16xf32>
        %get3A_154 = arith.index_cast %scan3A_25 : i32 to index
        %get3A_155 = arith.constant 144 : index
        %get3A_156 = tpu.vector_load %arg8[%get3A_154, %get3A_155] {strides = array<i32>} : memref<40x768xf32, #tpu.memory_space<vmem>>, vector<1x16xf32>,
        %get3A_157 = vector.shape_cast %get3A_156 : vector<1x16xf32> to vector<16xf32>
        %add3A_158 = arith.addf %get3A_153, %get3A_157 : vector<16xf32>
        %swap3A_159 = arith.index_cast %scan3A_25 : i32 to index
        %swap3A_160 = arith.constant 144 : index
        %swap3A_161 = tpu.vector_load %arg9[%swap3A_159, %swap3A_160] {strides = array<i32>} : memref<40x768xf32, #tpu.memory_space<vmem>>, vector<1x16xf32>,
        %swap3A_162 = vector.shape_cast %swap3A_161 : vector<1x16xf32> to vector<16xf32>
        %swap3A_163 = vector.shape_cast %add3A_158 : vector<16xf32> to vector<1x16xf32>
        tpu.vector_store %arg9[%swap3A_159, %swap3A_160], %swap3A_163 {strides = array<i32>} : memref<40x768xf32, #tpu.memory_space<vmem>>, vector<1x16xf32>,
        %get3A_164 = arith.index_cast %scan3A_25 : i32 to index
        %get3A_165 = arith.constant 160 : index
        %get3A_166 = tpu.vector_load %arg9[%get3A_164, %get3A_165] {strides = array<i32>} : memref<40x768xf32, #tpu.memory_space<vmem>>, vector<1x16xf32>,
        %get3A_167 = vector.shape_cast %get3A_166 : vector<1x16xf32> to vector<16xf32>
        %get3A_168 = arith.index_cast %scan3A_25 : i32 to index
        %get3A_169 = arith.constant 160 : index
        %get3A_170 = tpu.vector_load %arg8[%get3A_168, %get3A_169] {strides = array<i32>} : memref<40x768xf32, #tpu.memory_space<vmem>>, vector<1x16xf32>,
        %get3A_171 = vector.shape_cast %get3A_170 : vector<1x16xf32> to vector<16xf32>
        %add3A_172 = arith.addf %get3A_167, %get3A_171 : vector<16xf32>
        %swap3A_173 = arith.index_cast %scan3A_25 : i32 to index
        %swap3A_174 = arith.constant 160 : index
        %swap3A_175 = tpu.vector_load %arg9[%swap3A_173, %swap3A_174] {strides = array<i32>} : memref<40x768xf32, #tpu.memory_space<vmem>>, vector<1x16xf32>,
        %swap3A_176 = vector.shape_cast %swap3A_175 : vector<1x16xf32> to vector<16xf32>
        %swap3A_177 = vector.shape_cast %add3A_172 : vector<16xf32> to vector<1x16xf32>
        tpu.vector_store %arg9[%swap3A_173, %swap3A_174], %swap3A_177 {strides = array<i32>} : memref<40x768xf32, #tpu.memory_space<vmem>>, vector<1x16xf32>,
        %get3A_178 = arith.index_cast %scan3A_25 : i32 to index
        %get3A_179 = arith.constant 176 : index
        %get3A_180 = tpu.vector_load %arg9[%get3A_178, %get3A_179] {strides = array<i32>} : memref<40x768xf32, #tpu.memory_space<vmem>>, vector<1x16xf32>,
        %get3A_181 = vector.shape_cast %get3A_180 : vector<1x16xf32> to vector<16xf32>
        %get3A_182 = arith.index_cast %scan3A_25 : i32 to index
        %get3A_183 = arith.constant 176 : index
        %get3A_184 = tpu.vector_load %arg8[%get3A_182, %get3A_183] {strides = array<i32>} : memref<40x768xf32, #tpu.memory_space<vmem>>, vector<1x16xf32>,
        %get3A_185 = vector.shape_cast %get3A_184 : vector<1x16xf32> to vector<16xf32>
        %add3A_186 = arith.addf %get3A_181, %get3A_185 : vector<16xf32>
        %swap3A_187 = arith.index_cast %scan3A_25 : i32 to index
        %swap3A_188 = arith.constant 176 : index
        %swap3A_189 = tpu.vector_load %arg9[%swap3A_187, %swap3A_188] {strides = array<i32>} : memref<40x768xf32, #tpu.memory_space<vmem>>, vector<1x16xf32>,
        %swap3A_190 = vector.shape_cast %swap3A_189 : vector<1x16xf32> to vector<16xf32>
        %swap3A_191 = vector.shape_cast %add3A_186 : vector<16xf32> to vector<1x16xf32>
        tpu.vector_store %arg9[%swap3A_187, %swap3A_188], %swap3A_191 {strides = array<i32>} : memref<40x768xf32, #tpu.memory_space<vmem>>, vector<1x16xf32>,
        %get3A_192 = arith.index_cast %scan3A_25 : i32 to index
        %get3A_193 = arith.constant 192 : index
        %get3A_194 = tpu.vector_load %arg9[%get3A_192, %get3A_193] {strides = array<i32>} : memref<40x768xf32, #tpu.memory_space<vmem>>, vector<1x16xf32>,
        %get3A_195 = vector.shape_cast %get3A_194 : vector<1x16xf32> to vector<16xf32>
        %get3A_196 = arith.index_cast %scan3A_25 : i32 to index
        %get3A_197 = arith.constant 192 : index
        %get3A_198 = tpu.vector_load %arg8[%get3A_196, %get3A_197] {strides = array<i32>} : memref<40x768xf32, #tpu.memory_space<vmem>>, vector<1x16xf32>,
        %get3A_199 = vector.shape_cast %get3A_198 : vector<1x16xf32> to vector<16xf32>
        %add3A_200 = arith.addf %get3A_195, %get3A_199 : vector<16xf32>
        %swap3A_201 = arith.index_cast %scan3A_25 : i32 to index
        %swap3A_202 = arith.constant 192 : index
        %swap3A_203 = tpu.vector_load %arg9[%swap3A_201, %swap3A_202] {strides = array<i32>} : memref<40x768xf32, #tpu.memory_space<vmem>>, vector<1x16xf32>,
        %swap3A_204 = vector.shape_cast %swap3A_203 : vector<1x16xf32> to vector<16xf32>
        %swap3A_205 = vector.shape_cast %add3A_200 : vector<16xf32> to vector<1x16xf32>
        tpu.vector_store %arg9[%swap3A_201, %swap3A_202], %swap3A_205 {strides = array<i32>} : memref<40x768xf32, #tpu.memory_space<vmem>>, vector<1x16xf32>,
        %get3A_206 = arith.index_cast %scan3A_25 : i32 to index
        %get3A_207 = arith.constant 208 : index
        %get3A_208 = tpu.vector_load %arg9[%get3A_206, %get3A_207] {strides = array<i32>} : memref<40x768xf32, #tpu.memory_space<vmem>>, vector<1x16xf32>,
        %get3A_209 = vector.shape_cast %get3A_208 : vector<1x16xf32> to vector<16xf32>
        %get3A_210 = arith.index_cast %scan3A_25 : i32 to index
        %get3A_211 = arith.constant 208 : index
        %get3A_212 = tpu.vector_load %arg8[%get3A_210, %get3A_211] {strides = array<i32>} : memref<40x768xf32, #tpu.memory_space<vmem>>, vector<1x16xf32>,
        %get3A_213 = vector.shape_cast %get3A_212 : vector<1x16xf32> to vector<16xf32>
        %add3A_214 = arith.addf %get3A_209, %get3A_213 : vector<16xf32>
        %swap3A_215 = arith.index_cast %scan3A_25 : i32 to index
        %swap3A_216 = arith.constant 208 : index
        %swap3A_217 = tpu.vector_load %arg9[%swap3A_215, %swap3A_216] {strides = array<i32>} : memref<40x768xf32, #tpu.memory_space<vmem>>, vector<1x16xf32>,
        %swap3A_218 = vector.shape_cast %swap3A_217 : vector<1x16xf32> to vector<16xf32>
        %swap3A_219 = vector.shape_cast %add3A_214 : vector<16xf32> to vector<1x16xf32>
        tpu.vector_store %arg9[%swap3A_215, %swap3A_216], %swap3A_219 {strides = array<i32>} : memref<40x768xf32, #tpu.memory_space<vmem>>, vector<1x16xf32>,
        %get3A_220 = arith.index_cast %scan3A_25 : i32 to index
        %get3A_221 = arith.constant 224 : index
        %get3A_222 = tpu.vector_load %arg9[%get3A_220, %get3A_221] {strides = array<i32>} : memref<40x768xf32, #tpu.memory_space<vmem>>, vector<1x16xf32>,
        %get3A_223 = vector.shape_cast %get3A_222 : vector<1x16xf32> to vector<16xf32>
        %get3A_224 = arith.index_cast %scan3A_25 : i32 to index
        %get3A_225 = arith.constant 224 : index
        %get3A_226 = tpu.vector_load %arg8[%get3A_224, %get3A_225] {strides = array<i32>} : memref<40x768xf32, #tpu.memory_space<vmem>>, vector<1x16xf32>,
        %get3A_227 = vector.shape_cast %get3A_226 : vector<1x16xf32> to vector<16xf32>
        %add3A_228 = arith.addf %get3A_223, %get3A_227 : vector<16xf32>
        %swap3A_229 = arith.index_cast %scan3A_25 : i32 to index
        %swap3A_230 = arith.constant 224 : index
        %swap3A_231 = tpu.vector_load %arg9[%swap3A_229, %swap3A_230] {strides = array<i32>} : memref<40x768xf32, #tpu.memory_space<vmem>>, vector<1x16xf32>,
        %swap3A_232 = vector.shape_cast %swap3A_231 : vector<1x16xf32> to vector<16xf32>
        %swap3A_233 = vector.shape_cast %add3A_228 : vector<16xf32> to vector<1x16xf32>
        tpu.vector_store %arg9[%swap3A_229, %swap3A_230], %swap3A_233 {strides = array<i32>} : memref<40x768xf32, #tpu.memory_space<vmem>>, vector<1x16xf32>,
        %get3A_234 = arith.index_cast %scan3A_25 : i32 to index
        %get3A_235 = arith.constant 240 : index
        %get3A_236 = tpu.vector_load %arg9[%get3A_234, %get3A_235] {strides = array<i32>} : memref<40x768xf32, #tpu.memory_space<vmem>>, vector<1x16xf32>,
        %get3A_237 = vector.shape_cast %get3A_236 : vector<1x16xf32> to vector<16xf32>
        %get3A_238 = arith.index_cast %scan3A_25 : i32 to index
        %get3A_239 = arith.constant 240 : index
        %get3A_240 = tpu.vector_load %arg8[%get3A_238, %get3A_239] {strides = array<i32>} : memref<40x768xf32, #tpu.memory_space<vmem>>, vector<1x16xf32>,
        %get3A_241 = vector.shape_cast %get3A_240 : vector<1x16xf32> to vector<16xf32>
        %add3A_242 = arith.addf %get3A_237, %get3A_241 : vector<16xf32>
        %swap3A_243 = arith.index_cast %scan3A_25 : i32 to index
        %swap3A_244 = arith.constant 240 : index
        %swap3A_245 = tpu.vector_load %arg9[%swap3A_243, %swap3A_244] {strides = array<i32>} : memref<40x768xf32, #tpu.memory_space<vmem>>, vector<1x16xf32>,
        %swap3A_246 = vector.shape_cast %swap3A_245 : vector<1x16xf32> to vector<16xf32>
        %swap3A_247 = vector.shape_cast %add3A_242 : vector<16xf32> to vector<1x16xf32>
        tpu.vector_store %arg9[%swap3A_243, %swap3A_244], %swap3A_247 {strides = array<i32>} : memref<40x768xf32, #tpu.memory_space<vmem>>, vector<1x16xf32>,
        %get3A_248 = arith.index_cast %scan3A_25 : i32 to index
        %get3A_249 = arith.constant 256 : index
        %get3A_250 = tpu.vector_load %arg9[%get3A_248, %get3A_249] {strides = array<i32>} : memref<40x768xf32, #tpu.memory_space<vmem>>, vector<1x16xf32>,
        %get3A_251 = vector.shape_cast %get3A_250 : vector<1x16xf32> to vector<16xf32>
        %get3A_252 = arith.index_cast %scan3A_25 : i32 to index
        %get3A_253 = arith.constant 256 : index
        %get3A_254 = tpu.vector_load %arg8[%get3A_252, %get3A_253] {strides = array<i32>} : memref<40x768xf32, #tpu.memory_space<vmem>>, vector<1x16xf32>,
        %get3A_255 = vector.shape_cast %get3A_254 : vector<1x16xf32> to vector<16xf32>
        %add3A_256 = arith.addf %get3A_251, %get3A_255 : vector<16xf32>
        %swap3A_257 = arith.index_cast %scan3A_25 : i32 to index
        %swap3A_258 = arith.constant 256 : index
        %swap3A_259 = tpu.vector_load %arg9[%swap3A_257, %swap3A_258] {strides = array<i32>} : memref<40x768xf32, #tpu.memory_space<vmem>>, vector<1x16xf32>,
        %swap3A_260 = vector.shape_cast %swap3A_259 : vector<1x16xf32> to vector<16xf32>
        %swap3A_261 = vector.shape_cast %add3A_256 : vector<16xf32> to vector<1x16xf32>
        tpu.vector_store %arg9[%swap3A_257, %swap3A_258], %swap3A_261 {strides = array<i32>} : memref<40x768xf32, #tpu.memory_space<vmem>>, vector<1x16xf32>,
        %get3A_262 = arith.index_cast %scan3A_25 : i32 to index
        %get3A_263 = arith.constant 272 : index
        %get3A_264 = tpu.vector_load %arg9[%get3A_262, %get3A_263] {strides = array<i32>} : memref<40x768xf32, #tpu.memory_space<vmem>>, vector<1x16xf32>,
        %get3A_265 = vector.shape_cast %get3A_264 : vector<1x16xf32> to vector<16xf32>
        %get3A_266 = arith.index_cast %scan3A_25 : i32 to index
        %get3A_267 = arith.constant 272 : index
        %get3A_268 = tpu.vector_load %arg8[%get3A_266, %get3A_267] {strides = array<i32>} : memref<40x768xf32, #tpu.memory_space<vmem>>, vector<1x16xf32>,
        %get3A_269 = vector.shape_cast %get3A_268 : vector<1x16xf32> to vector<16xf32>
        %add3A_270 = arith.addf %get3A_265, %get3A_269 : vector<16xf32>
        %swap3A_271 = arith.index_cast %scan3A_25 : i32 to index
        %swap3A_272 = arith.constant 272 : index
        %swap3A_273 = tpu.vector_load %arg9[%swap3A_271, %swap3A_272] {strides = array<i32>} : memref<40x768xf32, #tpu.memory_space<vmem>>, vector<1x16xf32>,
        %swap3A_274 = vector.shape_cast %swap3A_273 : vector<1x16xf32> to vector<16xf32>
        %swap3A_275 = vector.shape_cast %add3A_270 : vector<16xf32> to vector<1x16xf32>
        tpu.vector_store %arg9[%swap3A_271, %swap3A_272], %swap3A_275 {strides = array<i32>} : memref<40x768xf32, #tpu.memory_space<vmem>>, vector<1x16xf32>,
        %get3A_276 = arith.index_cast %scan3A_25 : i32 to index
        %get3A_277 = arith.constant 288 : index
        %get3A_278 = tpu.vector_load %arg9[%get3A_276, %get3A_277] {strides = array<i32>} : memref<40x768xf32, #tpu.memory_space<vmem>>, vector<1x16xf32>,
        %get3A_279 = vector.shape_cast %get3A_278 : vector<1x16xf32> to vector<16xf32>
        %get3A_280 = arith.index_cast %scan3A_25 : i32 to index
        %get3A_281 = arith.constant 288 : index
        %get3A_282 = tpu.vector_load %arg8[%get3A_280, %get3A_281] {strides = array<i32>} : memref<40x768xf32, #tpu.memory_space<vmem>>, vector<1x16xf32>,
        %get3A_283 = vector.shape_cast %get3A_282 : vector<1x16xf32> to vector<16xf32>
        %add3A_284 = arith.addf %get3A_279, %get3A_283 : vector<16xf32>
        %swap3A_285 = arith.index_cast %scan3A_25 : i32 to index
        %swap3A_286 = arith.constant 288 : index
        %swap3A_287 = tpu.vector_load %arg9[%swap3A_285, %swap3A_286] {strides = array<i32>} : memref<40x768xf32, #tpu.memory_space<vmem>>, vector<1x16xf32>,
        %swap3A_288 = vector.shape_cast %swap3A_287 : vector<1x16xf32> to vector<16xf32>
        %swap3A_289 = vector.shape_cast %add3A_284 : vector<16xf32> to vector<1x16xf32>
        tpu.vector_store %arg9[%swap3A_285, %swap3A_286], %swap3A_289 {strides = array<i32>} : memref<40x768xf32, #tpu.memory_space<vmem>>, vector<1x16xf32>,
        %get3A_290 = arith.index_cast %scan3A_25 : i32 to index
        %get3A_291 = arith.constant 304 : index
        %get3A_292 = tpu.vector_load %arg9[%get3A_290, %get3A_291] {strides = array<i32>} : memref<40x768xf32, #tpu.memory_space<vmem>>, vector<1x16xf32>,
        %get3A_293 = vector.shape_cast %get3A_292 : vector<1x16xf32> to vector<16xf32>
        %get3A_294 = arith.index_cast %scan3A_25 : i32 to index
        %get3A_295 = arith.constant 304 : index
        %get3A_296 = tpu.vector_load %arg8[%get3A_294, %get3A_295] {strides = array<i32>} : memref<40x768xf32, #tpu.memory_space<vmem>>, vector<1x16xf32>,
        %get3A_297 = vector.shape_cast %get3A_296 : vector<1x16xf32> to vector<16xf32>
        %add3A_298 = arith.addf %get3A_293, %get3A_297 : vector<16xf32>
        %swap3A_299 = arith.index_cast %scan3A_25 : i32 to index
        %swap3A_300 = arith.constant 304 : index
        %swap3A_301 = tpu.vector_load %arg9[%swap3A_299, %swap3A_300] {strides = array<i32>} : memref<40x768xf32, #tpu.memory_space<vmem>>, vector<1x16xf32>,
        %swap3A_302 = vector.shape_cast %swap3A_301 : vector<1x16xf32> to vector<16xf32>
        %swap3A_303 = vector.shape_cast %add3A_298 : vector<16xf32> to vector<1x16xf32>
        tpu.vector_store %arg9[%swap3A_299, %swap3A_300], %swap3A_303 {strides = array<i32>} : memref<40x768xf32, #tpu.memory_space<vmem>>, vector<1x16xf32>,
        %get3A_304 = arith.index_cast %scan3A_25 : i32 to index
        %get3A_305 = arith.constant 320 : index
        %get3A_306 = tpu.vector_load %arg9[%get3A_304, %get3A_305] {strides = array<i32>} : memref<40x768xf32, #tpu.memory_space<vmem>>, vector<1x16xf32>,
        %get3A_307 = vector.shape_cast %get3A_306 : vector<1x16xf32> to vector<16xf32>
        %get3A_308 = arith.index_cast %scan3A_25 : i32 to index
        %get3A_309 = arith.constant 320 : index
        %get3A_310 = tpu.vector_load %arg8[%get3A_308, %get3A_309] {strides = array<i32>} : memref<40x768xf32, #tpu.memory_space<vmem>>, vector<1x16xf32>,
        %get3A_311 = vector.shape_cast %get3A_310 : vector<1x16xf32> to vector<16xf32>
        %add3A_312 = arith.addf %get3A_307, %get3A_311 : vector<16xf32>
        %swap3A_313 = arith.index_cast %scan3A_25 : i32 to index
        %swap3A_314 = arith.constant 320 : index
        %swap3A_315 = tpu.vector_load %arg9[%swap3A_313, %swap3A_314] {strides = array<i32>} : memref<40x768xf32, #tpu.memory_space<vmem>>, vector<1x16xf32>,
        %swap3A_316 = vector.shape_cast %swap3A_315 : vector<1x16xf32> to vector<16xf32>
        %swap3A_317 = vector.shape_cast %add3A_312 : vector<16xf32> to vector<1x16xf32>
        tpu.vector_store %arg9[%swap3A_313, %swap3A_314], %swap3A_317 {strides = array<i32>} : memref<40x768xf32, #tpu.memory_space<vmem>>, vector<1x16xf32>,
        %get3A_318 = arith.index_cast %scan3A_25 : i32 to index
        %get3A_319 = arith.constant 336 : index
        %get3A_320 = tpu.vector_load %arg9[%get3A_318, %get3A_319] {strides = array<i32>} : memref<40x768xf32, #tpu.memory_space<vmem>>, vector<1x16xf32>,
        %get3A_321 = vector.shape_cast %get3A_320 : vector<1x16xf32> to vector<16xf32>
        %get3A_322 = arith.index_cast %scan3A_25 : i32 to index
        %get3A_323 = arith.constant 336 : index
        %get3A_324 = tpu.vector_load %arg8[%get3A_322, %get3A_323] {strides = array<i32>} : memref<40x768xf32, #tpu.memory_space<vmem>>, vector<1x16xf32>,
        %get3A_325 = vector.shape_cast %get3A_324 : vector<1x16xf32> to vector<16xf32>
        %add3A_326 = arith.addf %get3A_321, %get3A_325 : vector<16xf32>
        %swap3A_327 = arith.index_cast %scan3A_25 : i32 to index
        %swap3A_328 = arith.constant 336 : index
        %swap3A_329 = tpu.vector_load %arg9[%swap3A_327, %swap3A_328] {strides = array<i32>} : memref<40x768xf32, #tpu.memory_space<vmem>>, vector<1x16xf32>,
        %swap3A_330 = vector.shape_cast %swap3A_329 : vector<1x16xf32> to vector<16xf32>
        %swap3A_331 = vector.shape_cast %add3A_326 : vector<16xf32> to vector<1x16xf32>
        tpu.vector_store %arg9[%swap3A_327, %swap3A_328], %swap3A_331 {strides = array<i32>} : memref<40x768xf32, #tpu.memory_space<vmem>>, vector<1x16xf32>,
        %get3A_332 = arith.index_cast %scan3A_25 : i32 to index
        %get3A_333 = arith.constant 352 : index
        %get3A_334 = tpu.vector_load %arg9[%get3A_332, %get3A_333] {strides = array<i32>} : memref<40x768xf32, #tpu.memory_space<vmem>>, vector<1x16xf32>,
        %get3A_335 = vector.shape_cast %get3A_334 : vector<1x16xf32> to vector<16xf32>
        %get3A_336 = arith.index_cast %scan3A_25 : i32 to index
        %get3A_337 = arith.constant 352 : index
        %get3A_338 = tpu.vector_load %arg8[%get3A_336, %get3A_337] {strides = array<i32>} : memref<40x768xf32, #tpu.memory_space<vmem>>, vector<1x16xf32>,
        %get3A_339 = vector.shape_cast %get3A_338 : vector<1x16xf32> to vector<16xf32>
        %add3A_340 = arith.addf %get3A_335, %get3A_339 : vector<16xf32>
        %swap3A_341 = arith.index_cast %scan3A_25 : i32 to index
        %swap3A_342 = arith.constant 352 : index
        %swap3A_343 = tpu.vector_load %arg9[%swap3A_341, %swap3A_342] {strides = array<i32>} : memref<40x768xf32, #tpu.memory_space<vmem>>, vector<1x16xf32>,
        %swap3A_344 = vector.shape_cast %swap3A_343 : vector<1x16xf32> to vector<16xf32>
        %swap3A_345 = vector.shape_cast %add3A_340 : vector<16xf32> to vector<1x16xf32>
        tpu.vector_store %arg9[%swap3A_341, %swap3A_342], %swap3A_345 {strides = array<i32>} : memref<40x768xf32, #tpu.memory_space<vmem>>, vector<1x16xf32>,
        %get3A_346 = arith.index_cast %scan3A_25 : i32 to index
        %get3A_347 = arith.constant 368 : index
        %get3A_348 = tpu.vector_load %arg9[%get3A_346, %get3A_347] {strides = array<i32>} : memref<40x768xf32, #tpu.memory_space<vmem>>, vector<1x16xf32>,
        %get3A_349 = vector.shape_cast %get3A_348 : vector<1x16xf32> to vector<16xf32>
        %get3A_350 = arith.index_cast %scan3A_25 : i32 to index
        %get3A_351 = arith.constant 368 : index
        %get3A_352 = tpu.vector_load %arg8[%get3A_350, %get3A_351] {strides = array<i32>} : memref<40x768xf32, #tpu.memory_space<vmem>>, vector<1x16xf32>,
        %get3A_353 = vector.shape_cast %get3A_352 : vector<1x16xf32> to vector<16xf32>
        %add3A_354 = arith.addf %get3A_349, %get3A_353 : vector<16xf32>
        %swap3A_355 = arith.index_cast %scan3A_25 : i32 to index
        %swap3A_356 = arith.constant 368 : index
        %swap3A_357 = tpu.vector_load %arg9[%swap3A_355, %swap3A_356] {strides = array<i32>} : memref<40x768xf32, #tpu.memory_space<vmem>>, vector<1x16xf32>,
        %swap3A_358 = vector.shape_cast %swap3A_357 : vector<1x16xf32> to vector<16xf32>
        %swap3A_359 = vector.shape_cast %add3A_354 : vector<16xf32> to vector<1x16xf32>
        tpu.vector_store %arg9[%swap3A_355, %swap3A_356], %swap3A_359 {strides = array<i32>} : memref<40x768xf32, #tpu.memory_space<vmem>>, vector<1x16xf32>,
        %get3A_360 = arith.index_cast %scan3A_25 : i32 to index
        %get3A_361 = arith.constant 384 : index
        %get3A_362 = tpu.vector_load %arg9[%get3A_360, %get3A_361] {strides = array<i32>} : memref<40x768xf32, #tpu.memory_space<vmem>>, vector<1x16xf32>,
        %get3A_363 = vector.shape_cast %get3A_362 : vector<1x16xf32> to vector<16xf32>
        %get3A_364 = arith.index_cast %scan3A_25 : i32 to index
        %get3A_365 = arith.constant 384 : index
        %get3A_366 = tpu.vector_load %arg8[%get3A_364, %get3A_365] {strides = array<i32>} : memref<40x768xf32, #tpu.memory_space<vmem>>, vector<1x16xf32>,
        %get3A_367 = vector.shape_cast %get3A_366 : vector<1x16xf32> to vector<16xf32>
        %add3A_368 = arith.addf %get3A_363, %get3A_367 : vector<16xf32>
        %swap3A_369 = arith.index_cast %scan3A_25 : i32 to index
        %swap3A_370 = arith.constant 384 : index
        %swap3A_371 = tpu.vector_load %arg9[%swap3A_369, %swap3A_370] {strides = array<i32>} : memref<40x768xf32, #tpu.memory_space<vmem>>, vector<1x16xf32>,
        %swap3A_372 = vector.shape_cast %swap3A_371 : vector<1x16xf32> to vector<16xf32>
        %swap3A_373 = vector.shape_cast %add3A_368 : vector<16xf32> to vector<1x16xf32>
        tpu.vector_store %arg9[%swap3A_369, %swap3A_370], %swap3A_373 {strides = array<i32>} : memref<40x768xf32, #tpu.memory_space<vmem>>, vector<1x16xf32>,
        %get3A_374 = arith.index_cast %scan3A_25 : i32 to index
        %get3A_375 = arith.constant 400 : index
        %get3A_376 = tpu.vector_load %arg9[%get3A_374, %get3A_375] {strides = array<i32>} : memref<40x768xf32, #tpu.memory_space<vmem>>, vector<1x16xf32>,
        %get3A_377 = vector.shape_cast %get3A_376 : vector<1x16xf32> to vector<16xf32>
        %get3A_378 = arith.index_cast %scan3A_25 : i32 to index
        %get3A_379 = arith.constant 400 : index
        %get3A_380 = tpu.vector_load %arg8[%get3A_378, %get3A_379] {strides = array<i32>} : memref<40x768xf32, #tpu.memory_space<vmem>>, vector<1x16xf32>,
        %get3A_381 = vector.shape_cast %get3A_380 : vector<1x16xf32> to vector<16xf32>
        %add3A_382 = arith.addf %get3A_377, %get3A_381 : vector<16xf32>
        %swap3A_383 = arith.index_cast %scan3A_25 : i32 to index
        %swap3A_384 = arith.constant 400 : index
        %swap3A_385 = tpu.vector_load %arg9[%swap3A_383, %swap3A_384] {strides = array<i32>} : memref<40x768xf32, #tpu.memory_space<vmem>>, vector<1x16xf32>,
        %swap3A_386 = vector.shape_cast %swap3A_385 : vector<1x16xf32> to vector<16xf32>
        %swap3A_387 = vector.shape_cast %add3A_382 : vector<16xf32> to vector<1x16xf32>
        tpu.vector_store %arg9[%swap3A_383, %swap3A_384], %swap3A_387 {strides = array<i32>} : memref<40x768xf32, #tpu.memory_space<vmem>>, vector<1x16xf32>,
        %get3A_388 = arith.index_cast %scan3A_25 : i32 to index
        %get3A_389 = arith.constant 416 : index
        %get3A_390 = tpu.vector_load %arg9[%get3A_388, %get3A_389] {strides = array<i32>} : memref<40x768xf32, #tpu.memory_space<vmem>>, vector<1x16xf32>,
        %get3A_391 = vector.shape_cast %get3A_390 : vector<1x16xf32> to vector<16xf32>
        %get3A_392 = arith.index_cast %scan3A_25 : i32 to index
        %get3A_393 = arith.constant 416 : index
        %get3A_394 = tpu.vector_load %arg8[%get3A_392, %get3A_393] {strides = array<i32>} : memref<40x768xf32, #tpu.memory_space<vmem>>, vector<1x16xf32>,
        %get3A_395 = vector.shape_cast %get3A_394 : vector<1x16xf32> to vector<16xf32>
        %add3A_396 = arith.addf %get3A_391, %get3A_395 : vector<16xf32>
        %swap3A_397 = arith.index_cast %scan3A_25 : i32 to index
        %swap3A_398 = arith.constant 416 : index
        %swap3A_399 = tpu.vector_load %arg9[%swap3A_397, %swap3A_398] {strides = array<i32>} : memref<40x768xf32, #tpu.memory_space<vmem>>, vector<1x16xf32>,
        %swap3A_400 = vector.shape_cast %swap3A_399 : vector<1x16xf32> to vector<16xf32>
        %swap3A_401 = vector.shape_cast %add3A_396 : vector<16xf32> to vector<1x16xf32>
        tpu.vector_store %arg9[%swap3A_397, %swap3A_398], %swap3A_401 {strides = array<i32>} : memref<40x768xf32, #tpu.memory_space<vmem>>, vector<1x16xf32>,
        %get3A_402 = arith.index_cast %scan3A_25 : i32 to index
        %get3A_403 = arith.constant 432 : index
        %get3A_404 = tpu.vector_load %arg9[%get3A_402, %get3A_403] {strides = array<i32>} : memref<40x768xf32, #tpu.memory_space<vmem>>, vector<1x16xf32>,
        %get3A_405 = vector.shape_cast %get3A_404 : vector<1x16xf32> to vector<16xf32>
        %get3A_406 = arith.index_cast %scan3A_25 : i32 to index
        %get3A_407 = arith.constant 432 : index
        %get3A_408 = tpu.vector_load %arg8[%get3A_406, %get3A_407] {strides = array<i32>} : memref<40x768xf32, #tpu.memory_space<vmem>>, vector<1x16xf32>,
        %get3A_409 = vector.shape_cast %get3A_408 : vector<1x16xf32> to vector<16xf32>
        %add3A_410 = arith.addf %get3A_405, %get3A_409 : vector<16xf32>
        %swap3A_411 = arith.index_cast %scan3A_25 : i32 to index
        %swap3A_412 = arith.constant 432 : index
        %swap3A_413 = tpu.vector_load %arg9[%swap3A_411, %swap3A_412] {strides = array<i32>} : memref<40x768xf32, #tpu.memory_space<vmem>>, vector<1x16xf32>,
        %swap3A_414 = vector.shape_cast %swap3A_413 : vector<1x16xf32> to vector<16xf32>
        %swap3A_415 = vector.shape_cast %add3A_410 : vector<16xf32> to vector<1x16xf32>
        tpu.vector_store %arg9[%swap3A_411, %swap3A_412], %swap3A_415 {strides = array<i32>} : memref<40x768xf32, #tpu.memory_space<vmem>>, vector<1x16xf32>,
        %get3A_416 = arith.index_cast %scan3A_25 : i32 to index
        %get3A_417 = arith.constant 448 : index
        %get3A_418 = tpu.vector_load %arg9[%get3A_416, %get3A_417] {strides = array<i32>} : memref<40x768xf32, #tpu.memory_space<vmem>>, vector<1x16xf32>,
        %get3A_419 = vector.shape_cast %get3A_418 : vector<1x16xf32> to vector<16xf32>
        %get3A_420 = arith.index_cast %scan3A_25 : i32 to index
        %get3A_421 = arith.constant 448 : index
        %get3A_422 = tpu.vector_load %arg8[%get3A_420, %get3A_421] {strides = array<i32>} : memref<40x768xf32, #tpu.memory_space<vmem>>, vector<1x16xf32>,
        %get3A_423 = vector.shape_cast %get3A_422 : vector<1x16xf32> to vector<16xf32>
        %add3A_424 = arith.addf %get3A_419, %get3A_423 : vector<16xf32>
        %swap3A_425 = arith.index_cast %scan3A_25 : i32 to index
        %swap3A_426 = arith.constant 448 : index
        %swap3A_427 = tpu.vector_load %arg9[%swap3A_425, %swap3A_426] {strides = array<i32>} : memref<40x768xf32, #tpu.memory_space<vmem>>, vector<1x16xf32>,
        %swap3A_428 = vector.shape_cast %swap3A_427 : vector<1x16xf32> to vector<16xf32>
        %swap3A_429 = vector.shape_cast %add3A_424 : vector<16xf32> to vector<1x16xf32>
        tpu.vector_store %arg9[%swap3A_425, %swap3A_426], %swap3A_429 {strides = array<i32>} : memref<40x768xf32, #tpu.memory_space<vmem>>, vector<1x16xf32>,
        %get3A_430 = arith.index_cast %scan3A_25 : i32 to index
        %get3A_431 = arith.constant 464 : index
        %get3A_432 = tpu.vector_load %arg9[%get3A_430, %get3A_431] {strides = array<i32>} : memref<40x768xf32, #tpu.memory_space<vmem>>, vector<1x16xf32>,
        %get3A_433 = vector.shape_cast %get3A_432 : vector<1x16xf32> to vector<16xf32>
        %get3A_434 = arith.index_cast %scan3A_25 : i32 to index
        %get3A_435 = arith.constant 464 : index
        %get3A_436 = tpu.vector_load %arg8[%get3A_434, %get3A_435] {strides = array<i32>} : memref<40x768xf32, #tpu.memory_space<vmem>>, vector<1x16xf32>,
        %get3A_437 = vector.shape_cast %get3A_436 : vector<1x16xf32> to vector<16xf32>
        %add3A_438 = arith.addf %get3A_433, %get3A_437 : vector<16xf32>
        %swap3A_439 = arith.index_cast %scan3A_25 : i32 to index
        %swap3A_440 = arith.constant 464 : index
        %swap3A_441 = tpu.vector_load %arg9[%swap3A_439, %swap3A_440] {strides = array<i32>} : memref<40x768xf32, #tpu.memory_space<vmem>>, vector<1x16xf32>,
        %swap3A_442 = vector.shape_cast %swap3A_441 : vector<1x16xf32> to vector<16xf32>
        %swap3A_443 = vector.shape_cast %add3A_438 : vector<16xf32> to vector<1x16xf32>
        tpu.vector_store %arg9[%swap3A_439, %swap3A_440], %swap3A_443 {strides = array<i32>} : memref<40x768xf32, #tpu.memory_space<vmem>>, vector<1x16xf32>,
        %get3A_444 = arith.index_cast %scan3A_25 : i32 to index
        %get3A_445 = arith.constant 480 : index
        %get3A_446 = tpu.vector_load %arg9[%get3A_444, %get3A_445] {strides = array<i32>} : memref<40x768xf32, #tpu.memory_space<vmem>>, vector<1x16xf32>,
        %get3A_447 = vector.shape_cast %get3A_446 : vector<1x16xf32> to vector<16xf32>
        %get3A_448 = arith.index_cast %scan3A_25 : i32 to index
        %get3A_449 = arith.constant 480 : index
        %get3A_450 = tpu.vector_load %arg8[%get3A_448, %get3A_449] {strides = array<i32>} : memref<40x768xf32, #tpu.memory_space<vmem>>, vector<1x16xf32>,
        %get3A_451 = vector.shape_cast %get3A_450 : vector<1x16xf32> to vector<16xf32>
        %add3A_452 = arith.addf %get3A_447, %get3A_451 : vector<16xf32>
        %swap3A_453 = arith.index_cast %scan3A_25 : i32 to index
        %swap3A_454 = arith.constant 480 : index
        %swap3A_455 = tpu.vector_load %arg9[%swap3A_453, %swap3A_454] {strides = array<i32>} : memref<40x768xf32, #tpu.memory_space<vmem>>, vector<1x16xf32>,
        %swap3A_456 = vector.shape_cast %swap3A_455 : vector<1x16xf32> to vector<16xf32>
        %swap3A_457 = vector.shape_cast %add3A_452 : vector<16xf32> to vector<1x16xf32>
        tpu.vector_store %arg9[%swap3A_453, %swap3A_454], %swap3A_457 {strides = array<i32>} : memref<40x768xf32, #tpu.memory_space<vmem>>, vector<1x16xf32>,
        %get3A_458 = arith.index_cast %scan3A_25 : i32 to index
        %get3A_459 = arith.constant 496 : index
        %get3A_460 = tpu.vector_load %arg9[%get3A_458, %get3A_459] {strides = array<i32>} : memref<40x768xf32, #tpu.memory_space<vmem>>, vector<1x16xf32>,
        %get3A_461 = vector.shape_cast %get3A_460 : vector<1x16xf32> to vector<16xf32>
        %get3A_462 = arith.index_cast %scan3A_25 : i32 to index
        %get3A_463 = arith.constant 496 : index
        %get3A_464 = tpu.vector_load %arg8[%get3A_462, %get3A_463] {strides = array<i32>} : memref<40x768xf32, #tpu.memory_space<vmem>>, vector<1x16xf32>,
        %get3A_465 = vector.shape_cast %get3A_464 : vector<1x16xf32> to vector<16xf32>
        %add3A_466 = arith.addf %get3A_461, %get3A_465 : vector<16xf32>
        %swap3A_467 = arith.index_cast %scan3A_25 : i32 to index
        %swap3A_468 = arith.constant 496 : index
        %swap3A_469 = tpu.vector_load %arg9[%swap3A_467, %swap3A_468] {strides = array<i32>} : memref<40x768xf32, #tpu.memory_space<vmem>>, vector<1x16xf32>,
        %swap3A_470 = vector.shape_cast %swap3A_469 : vector<1x16xf32> to vector<16xf32>
        %swap3A_471 = vector.shape_cast %add3A_466 : vector<16xf32> to vector<1x16xf32>
        tpu.vector_store %arg9[%swap3A_467, %swap3A_468], %swap3A_471 {strides = array<i32>} : memref<40x768xf32, #tpu.memory_space<vmem>>, vector<1x16xf32>,
        %get3A_472 = arith.index_cast %scan3A_25 : i32 to index
        %get3A_473 = arith.constant 512 : index
        %get3A_474 = tpu.vector_load %arg9[%get3A_472, %get3A_473] {strides = array<i32>} : memref<40x768xf32, #tpu.memory_space<vmem>>, vector<1x16xf32>,
        %get3A_475 = vector.shape_cast %get3A_474 : vector<1x16xf32> to vector<16xf32>
        %get3A_476 = arith.index_cast %scan3A_25 : i32 to index
        %get3A_477 = arith.constant 512 : index
        %get3A_478 = tpu.vector_load %arg8[%get3A_476, %get3A_477] {strides = array<i32>} : memref<40x768xf32, #tpu.memory_space<vmem>>, vector<1x16xf32>,
        %get3A_479 = vector.shape_cast %get3A_478 : vector<1x16xf32> to vector<16xf32>
        %add3A_480 = arith.addf %get3A_475, %get3A_479 : vector<16xf32>
        %swap3A_481 = arith.index_cast %scan3A_25 : i32 to index
        %swap3A_482 = arith.constant 512 : index
        %swap3A_483 = tpu.vector_load %arg9[%swap3A_481, %swap3A_482] {strides = array<i32>} : memref<40x768xf32, #tpu.memory_space<vmem>>, vector<1x16xf32>,
        %swap3A_484 = vector.shape_cast %swap3A_483 : vector<1x16xf32> to vector<16xf32>
        %swap3A_485 = vector.shape_cast %add3A_480 : vector<16xf32> to vector<1x16xf32>
        tpu.vector_store %arg9[%swap3A_481, %swap3A_482], %swap3A_485 {strides = array<i32>} : memref<40x768xf32, #tpu.memory_space<vmem>>, vector<1x16xf32>,
        %get3A_486 = arith.index_cast %scan3A_25 : i32 to index
        %get3A_487 = arith.constant 528 : index
        %get3A_488 = tpu.vector_load %arg9[%get3A_486, %get3A_487] {strides = array<i32>} : memref<40x768xf32, #tpu.memory_space<vmem>>, vector<1x16xf32>,
        %get3A_489 = vector.shape_cast %get3A_488 : vector<1x16xf32> to vector<16xf32>
        %get3A_490 = arith.index_cast %scan3A_25 : i32 to index
        %get3A_491 = arith.constant 528 : index
        %get3A_492 = tpu.vector_load %arg8[%get3A_490, %get3A_491] {strides = array<i32>} : memref<40x768xf32, #tpu.memory_space<vmem>>, vector<1x16xf32>,
        %get3A_493 = vector.shape_cast %get3A_492 : vector<1x16xf32> to vector<16xf32>
        %add3A_494 = arith.addf %get3A_489, %get3A_493 : vector<16xf32>
        %swap3A_495 = arith.index_cast %scan3A_25 : i32 to index
        %swap3A_496 = arith.constant 528 : index
        %swap3A_497 = tpu.vector_load %arg9[%swap3A_495, %swap3A_496] {strides = array<i32>} : memref<40x768xf32, #tpu.memory_space<vmem>>, vector<1x16xf32>,
        %swap3A_498 = vector.shape_cast %swap3A_497 : vector<1x16xf32> to vector<16xf32>
        %swap3A_499 = vector.shape_cast %add3A_494 : vector<16xf32> to vector<1x16xf32>
        tpu.vector_store %arg9[%swap3A_495, %swap3A_496], %swap3A_499 {strides = array<i32>} : memref<40x768xf32, #tpu.memory_space<vmem>>, vector<1x16xf32>,
        %get3A_500 = arith.index_cast %scan3A_25 : i32 to index
        %get3A_501 = arith.constant 544 : index
        %get3A_502 = tpu.vector_load %arg9[%get3A_500, %get3A_501] {strides = array<i32>} : memref<40x768xf32, #tpu.memory_space<vmem>>, vector<1x16xf32>,
        %get3A_503 = vector.shape_cast %get3A_502 : vector<1x16xf32> to vector<16xf32>
        %get3A_504 = arith.index_cast %scan3A_25 : i32 to index
        %get3A_505 = arith.constant 544 : index
        %get3A_506 = tpu.vector_load %arg8[%get3A_504, %get3A_505] {strides = array<i32>} : memref<40x768xf32, #tpu.memory_space<vmem>>, vector<1x16xf32>,
        %get3A_507 = vector.shape_cast %get3A_506 : vector<1x16xf32> to vector<16xf32>
        %add3A_508 = arith.addf %get3A_503, %get3A_507 : vector<16xf32>
        %swap3A_509 = arith.index_cast %scan3A_25 : i32 to index
        %swap3A_510 = arith.constant 544 : index
        %swap3A_511 = tpu.vector_load %arg9[%swap3A_509, %swap3A_510] {strides = array<i32>} : memref<40x768xf32, #tpu.memory_space<vmem>>, vector<1x16xf32>,
        %swap3A_512 = vector.shape_cast %swap3A_511 : vector<1x16xf32> to vector<16xf32>
        %swap3A_513 = vector.shape_cast %add3A_508 : vector<16xf32> to vector<1x16xf32>
        tpu.vector_store %arg9[%swap3A_509, %swap3A_510], %swap3A_513 {strides = array<i32>} : memref<40x768xf32, #tpu.memory_space<vmem>>, vector<1x16xf32>,
        %get3A_514 = arith.index_cast %scan3A_25 : i32 to index
        %get3A_515 = arith.constant 560 : index
        %get3A_516 = tpu.vector_load %arg9[%get3A_514, %get3A_515] {strides = array<i32>} : memref<40x768xf32, #tpu.memory_space<vmem>>, vector<1x16xf32>,
        %get3A_517 = vector.shape_cast %get3A_516 : vector<1x16xf32> to vector<16xf32>
        %get3A_518 = arith.index_cast %scan3A_25 : i32 to index
        %get3A_519 = arith.constant 560 : index
        %get3A_520 = tpu.vector_load %arg8[%get3A_518, %get3A_519] {strides = array<i32>} : memref<40x768xf32, #tpu.memory_space<vmem>>, vector<1x16xf32>,
        %get3A_521 = vector.shape_cast %get3A_520 : vector<1x16xf32> to vector<16xf32>
        %add3A_522 = arith.addf %get3A_517, %get3A_521 : vector<16xf32>
        %swap3A_523 = arith.index_cast %scan3A_25 : i32 to index
        %swap3A_524 = arith.constant 560 : index
        %swap3A_525 = tpu.vector_load %arg9[%swap3A_523, %swap3A_524] {strides = array<i32>} : memref<40x768xf32, #tpu.memory_space<vmem>>, vector<1x16xf32>,
        %swap3A_526 = vector.shape_cast %swap3A_525 : vector<1x16xf32> to vector<16xf32>
        %swap3A_527 = vector.shape_cast %add3A_522 : vector<16xf32> to vector<1x16xf32>
        tpu.vector_store %arg9[%swap3A_523, %swap3A_524], %swap3A_527 {strides = array<i32>} : memref<40x768xf32, #tpu.memory_space<vmem>>, vector<1x16xf32>,
        %get3A_528 = arith.index_cast %scan3A_25 : i32 to index
        %get3A_529 = arith.constant 576 : index
        %get3A_530 = tpu.vector_load %arg9[%get3A_528, %get3A_529] {strides = array<i32>} : memref<40x768xf32, #tpu.memory_space<vmem>>, vector<1x16xf32>,
        %get3A_531 = vector.shape_cast %get3A_530 : vector<1x16xf32> to vector<16xf32>
        %get3A_532 = arith.index_cast %scan3A_25 : i32 to index
        %get3A_533 = arith.constant 576 : index
        %get3A_534 = tpu.vector_load %arg8[%get3A_532, %get3A_533] {strides = array<i32>} : memref<40x768xf32, #tpu.memory_space<vmem>>, vector<1x16xf32>,
        %get3A_535 = vector.shape_cast %get3A_534 : vector<1x16xf32> to vector<16xf32>
        %add3A_536 = arith.addf %get3A_531, %get3A_535 : vector<16xf32>
        %swap3A_537 = arith.index_cast %scan3A_25 : i32 to index
        %swap3A_538 = arith.constant 576 : index
        %swap3A_539 = tpu.vector_load %arg9[%swap3A_537, %swap3A_538] {strides = array<i32>} : memref<40x768xf32, #tpu.memory_space<vmem>>, vector<1x16xf32>,
        %swap3A_540 = vector.shape_cast %swap3A_539 : vector<1x16xf32> to vector<16xf32>
        %swap3A_541 = vector.shape_cast %add3A_536 : vector<16xf32> to vector<1x16xf32>
        tpu.vector_store %arg9[%swap3A_537, %swap3A_538], %swap3A_541 {strides = array<i32>} : memref<40x768xf32, #tpu.memory_space<vmem>>, vector<1x16xf32>,
        %get3A_542 = arith.index_cast %scan3A_25 : i32 to index
        %get3A_543 = arith.constant 592 : index
        %get3A_544 = tpu.vector_load %arg9[%get3A_542, %get3A_543] {strides = array<i32>} : memref<40x768xf32, #tpu.memory_space<vmem>>, vector<1x16xf32>,
        %get3A_545 = vector.shape_cast %get3A_544 : vector<1x16xf32> to vector<16xf32>
        %get3A_546 = arith.index_cast %scan3A_25 : i32 to index
        %get3A_547 = arith.constant 592 : index
        %get3A_548 = tpu.vector_load %arg8[%get3A_546, %get3A_547] {strides = array<i32>} : memref<40x768xf32, #tpu.memory_space<vmem>>, vector<1x16xf32>,
        %get3A_549 = vector.shape_cast %get3A_548 : vector<1x16xf32> to vector<16xf32>
        %add3A_550 = arith.addf %get3A_545, %get3A_549 : vector<16xf32>
        %swap3A_551 = arith.index_cast %scan3A_25 : i32 to index
        %swap3A_552 = arith.constant 592 : index
        %swap3A_553 = tpu.vector_load %arg9[%swap3A_551, %swap3A_552] {strides = array<i32>} : memref<40x768xf32, #tpu.memory_space<vmem>>, vector<1x16xf32>,
        %swap3A_554 = vector.shape_cast %swap3A_553 : vector<1x16xf32> to vector<16xf32>
        %swap3A_555 = vector.shape_cast %add3A_550 : vector<16xf32> to vector<1x16xf32>
        tpu.vector_store %arg9[%swap3A_551, %swap3A_552], %swap3A_555 {strides = array<i32>} : memref<40x768xf32, #tpu.memory_space<vmem>>, vector<1x16xf32>,
        %get3A_556 = arith.index_cast %scan3A_25 : i32 to index
        %get3A_557 = arith.constant 608 : index
        %get3A_558 = tpu.vector_load %arg9[%get3A_556, %get3A_557] {strides = array<i32>} : memref<40x768xf32, #tpu.memory_space<vmem>>, vector<1x16xf32>,
        %get3A_559 = vector.shape_cast %get3A_558 : vector<1x16xf32> to vector<16xf32>
        %get3A_560 = arith.index_cast %scan3A_25 : i32 to index
        %get3A_561 = arith.constant 608 : index
        %get3A_562 = tpu.vector_load %arg8[%get3A_560, %get3A_561] {strides = array<i32>} : memref<40x768xf32, #tpu.memory_space<vmem>>, vector<1x16xf32>,
        %get3A_563 = vector.shape_cast %get3A_562 : vector<1x16xf32> to vector<16xf32>
        %add3A_564 = arith.addf %get3A_559, %get3A_563 : vector<16xf32>
        %swap3A_565 = arith.index_cast %scan3A_25 : i32 to index
        %swap3A_566 = arith.constant 608 : index
        %swap3A_567 = tpu.vector_load %arg9[%swap3A_565, %swap3A_566] {strides = array<i32>} : memref<40x768xf32, #tpu.memory_space<vmem>>, vector<1x16xf32>,
        %swap3A_568 = vector.shape_cast %swap3A_567 : vector<1x16xf32> to vector<16xf32>
        %swap3A_569 = vector.shape_cast %add3A_564 : vector<16xf32> to vector<1x16xf32>
        tpu.vector_store %arg9[%swap3A_565, %swap3A_566], %swap3A_569 {strides = array<i32>} : memref<40x768xf32, #tpu.memory_space<vmem>>, vector<1x16xf32>,
        %get3A_570 = arith.index_cast %scan3A_25 : i32 to index
        %get3A_571 = arith.constant 624 : index
        %get3A_572 = tpu.vector_load %arg9[%get3A_570, %get3A_571] {strides = array<i32>} : memref<40x768xf32, #tpu.memory_space<vmem>>, vector<1x16xf32>,
        %get3A_573 = vector.shape_cast %get3A_572 : vector<1x16xf32> to vector<16xf32>
        %get3A_574 = arith.index_cast %scan3A_25 : i32 to index
        %get3A_575 = arith.constant 624 : index
        %get3A_576 = tpu.vector_load %arg8[%get3A_574, %get3A_575] {strides = array<i32>} : memref<40x768xf32, #tpu.memory_space<vmem>>, vector<1x16xf32>,
        %get3A_577 = vector.shape_cast %get3A_576 : vector<1x16xf32> to vector<16xf32>
        %add3A_578 = arith.addf %get3A_573, %get3A_577 : vector<16xf32>
        %swap3A_579 = arith.index_cast %scan3A_25 : i32 to index
        %swap3A_580 = arith.constant 624 : index
        %swap3A_581 = tpu.vector_load %arg9[%swap3A_579, %swap3A_580] {strides = array<i32>} : memref<40x768xf32, #tpu.memory_space<vmem>>, vector<1x16xf32>,
        %swap3A_582 = vector.shape_cast %swap3A_581 : vector<1x16xf32> to vector<16xf32>
        %swap3A_583 = vector.shape_cast %add3A_578 : vector<16xf32> to vector<1x16xf32>
        tpu.vector_store %arg9[%swap3A_579, %swap3A_580], %swap3A_583 {strides = array<i32>} : memref<40x768xf32, #tpu.memory_space<vmem>>, vector<1x16xf32>,
        %get3A_584 = arith.index_cast %scan3A_25 : i32 to index
        %get3A_585 = arith.constant 640 : index
        %get3A_586 = tpu.vector_load %arg9[%get3A_584, %get3A_585] {strides = array<i32>} : memref<40x768xf32, #tpu.memory_space<vmem>>, vector<1x16xf32>,
        %get3A_587 = vector.shape_cast %get3A_586 : vector<1x16xf32> to vector<16xf32>
        %get3A_588 = arith.index_cast %scan3A_25 : i32 to index
        %get3A_589 = arith.constant 640 : index
        %get3A_590 = tpu.vector_load %arg8[%get3A_588, %get3A_589] {strides = array<i32>} : memref<40x768xf32, #tpu.memory_space<vmem>>, vector<1x16xf32>,
        %get3A_591 = vector.shape_cast %get3A_590 : vector<1x16xf32> to vector<16xf32>
        %add3A_592 = arith.addf %get3A_587, %get3A_591 : vector<16xf32>
        %swap3A_593 = arith.index_cast %scan3A_25 : i32 to index
        %swap3A_594 = arith.constant 640 : index
        %swap3A_595 = tpu.vector_load %arg9[%swap3A_593, %swap3A_594] {strides = array<i32>} : memref<40x768xf32, #tpu.memory_space<vmem>>, vector<1x16xf32>,
        %swap3A_596 = vector.shape_cast %swap3A_595 : vector<1x16xf32> to vector<16xf32>
        %swap3A_597 = vector.shape_cast %add3A_592 : vector<16xf32> to vector<1x16xf32>
        tpu.vector_store %arg9[%swap3A_593, %swap3A_594], %swap3A_597 {strides = array<i32>} : memref<40x768xf32, #tpu.memory_space<vmem>>, vector<1x16xf32>,
        %get3A_598 = arith.index_cast %scan3A_25 : i32 to index
        %get3A_599 = arith.constant 656 : index
        %get3A_600 = tpu.vector_load %arg9[%get3A_598, %get3A_599] {strides = array<i32>} : memref<40x768xf32, #tpu.memory_space<vmem>>, vector<1x16xf32>,
        %get3A_601 = vector.shape_cast %get3A_600 : vector<1x16xf32> to vector<16xf32>
        %get3A_602 = arith.index_cast %scan3A_25 : i32 to index
        %get3A_603 = arith.constant 656 : index
        %get3A_604 = tpu.vector_load %arg8[%get3A_602, %get3A_603] {strides = array<i32>} : memref<40x768xf32, #tpu.memory_space<vmem>>, vector<1x16xf32>,
        %get3A_605 = vector.shape_cast %get3A_604 : vector<1x16xf32> to vector<16xf32>
        %add3A_606 = arith.addf %get3A_601, %get3A_605 : vector<16xf32>
        %swap3A_607 = arith.index_cast %scan3A_25 : i32 to index
        %swap3A_608 = arith.constant 656 : index
        %swap3A_609 = tpu.vector_load %arg9[%swap3A_607, %swap3A_608] {strides = array<i32>} : memref<40x768xf32, #tpu.memory_space<vmem>>, vector<1x16xf32>,
        %swap3A_610 = vector.shape_cast %swap3A_609 : vector<1x16xf32> to vector<16xf32>
        %swap3A_611 = vector.shape_cast %add3A_606 : vector<16xf32> to vector<1x16xf32>
        tpu.vector_store %arg9[%swap3A_607, %swap3A_608], %swap3A_611 {strides = array<i32>} : memref<40x768xf32, #tpu.memory_space<vmem>>, vector<1x16xf32>,
        %get3A_612 = arith.index_cast %scan3A_25 : i32 to index
        %get3A_613 = arith.constant 672 : index
        %get3A_614 = tpu.vector_load %arg9[%get3A_612, %get3A_613] {strides = array<i32>} : memref<40x768xf32, #tpu.memory_space<vmem>>, vector<1x16xf32>,
        %get3A_615 = vector.shape_cast %get3A_614 : vector<1x16xf32> to vector<16xf32>
        %get3A_616 = arith.index_cast %scan3A_25 : i32 to index
        %get3A_617 = arith.constant 672 : index
        %get3A_618 = tpu.vector_load %arg8[%get3A_616, %get3A_617] {strides = array<i32>} : memref<40x768xf32, #tpu.memory_space<vmem>>, vector<1x16xf32>,
        %get3A_619 = vector.shape_cast %get3A_618 : vector<1x16xf32> to vector<16xf32>
        %add3A_620 = arith.addf %get3A_615, %get3A_619 : vector<16xf32>
        %swap3A_621 = arith.index_cast %scan3A_25 : i32 to index
        %swap3A_622 = arith.constant 672 : index
        %swap3A_623 = tpu.vector_load %arg9[%swap3A_621, %swap3A_622] {strides = array<i32>} : memref<40x768xf32, #tpu.memory_space<vmem>>, vector<1x16xf32>,
        %swap3A_624 = vector.shape_cast %swap3A_623 : vector<1x16xf32> to vector<16xf32>
        %swap3A_625 = vector.shape_cast %add3A_620 : vector<16xf32> to vector<1x16xf32>
        tpu.vector_store %arg9[%swap3A_621, %swap3A_622], %swap3A_625 {strides = array<i32>} : memref<40x768xf32, #tpu.memory_space<vmem>>, vector<1x16xf32>,
        %get3A_626 = arith.index_cast %scan3A_25 : i32 to index
        %get3A_627 = arith.constant 688 : index
        %get3A_628 = tpu.vector_load %arg9[%get3A_626, %get3A_627] {strides = array<i32>} : memref<40x768xf32, #tpu.memory_space<vmem>>, vector<1x16xf32>,
        %get3A_629 = vector.shape_cast %get3A_628 : vector<1x16xf32> to vector<16xf32>
        %get3A_630 = arith.index_cast %scan3A_25 : i32 to index
        %get3A_631 = arith.constant 688 : index
        %get3A_632 = tpu.vector_load %arg8[%get3A_630, %get3A_631] {strides = array<i32>} : memref<40x768xf32, #tpu.memory_space<vmem>>, vector<1x16xf32>,
        %get3A_633 = vector.shape_cast %get3A_632 : vector<1x16xf32> to vector<16xf32>
        %add3A_634 = arith.addf %get3A_629, %get3A_633 : vector<16xf32>
        %swap3A_635 = arith.index_cast %scan3A_25 : i32 to index
        %swap3A_636 = arith.constant 688 : index
        %swap3A_637 = tpu.vector_load %arg9[%swap3A_635, %swap3A_636] {strides = array<i32>} : memref<40x768xf32, #tpu.memory_space<vmem>>, vector<1x16xf32>,
        %swap3A_638 = vector.shape_cast %swap3A_637 : vector<1x16xf32> to vector<16xf32>
        %swap3A_639 = vector.shape_cast %add3A_634 : vector<16xf32> to vector<1x16xf32>
        tpu.vector_store %arg9[%swap3A_635, %swap3A_636], %swap3A_639 {strides = array<i32>} : memref<40x768xf32, #tpu.memory_space<vmem>>, vector<1x16xf32>,
        %get3A_640 = arith.index_cast %scan3A_25 : i32 to index
        %get3A_641 = arith.constant 704 : index
        %get3A_642 = tpu.vector_load %arg9[%get3A_640, %get3A_641] {strides = array<i32>} : memref<40x768xf32, #tpu.memory_space<vmem>>, vector<1x16xf32>,
        %get3A_643 = vector.shape_cast %get3A_642 : vector<1x16xf32> to vector<16xf32>
        %get3A_644 = arith.index_cast %scan3A_25 : i32 to index
        %get3A_645 = arith.constant 704 : index
        %get3A_646 = tpu.vector_load %arg8[%get3A_644, %get3A_645] {strides = array<i32>} : memref<40x768xf32, #tpu.memory_space<vmem>>, vector<1x16xf32>,
        %get3A_647 = vector.shape_cast %get3A_646 : vector<1x16xf32> to vector<16xf32>
        %add3A_648 = arith.addf %get3A_643, %get3A_647 : vector<16xf32>
        %swap3A_649 = arith.index_cast %scan3A_25 : i32 to index
        %swap3A_650 = arith.constant 704 : index
        %swap3A_651 = tpu.vector_load %arg9[%swap3A_649, %swap3A_650] {strides = array<i32>} : memref<40x768xf32, #tpu.memory_space<vmem>>, vector<1x16xf32>,
        %swap3A_652 = vector.shape_cast %swap3A_651 : vector<1x16xf32> to vector<16xf32>
        %swap3A_653 = vector.shape_cast %add3A_648 : vector<16xf32> to vector<1x16xf32>
        tpu.vector_store %arg9[%swap3A_649, %swap3A_650], %swap3A_653 {strides = array<i32>} : memref<40x768xf32, #tpu.memory_space<vmem>>, vector<1x16xf32>,
        %get3A_654 = arith.index_cast %scan3A_25 : i32 to index
        %get3A_655 = arith.constant 720 : index
        %get3A_656 = tpu.vector_load %arg9[%get3A_654, %get3A_655] {strides = array<i32>} : memref<40x768xf32, #tpu.memory_space<vmem>>, vector<1x16xf32>,
        %get3A_657 = vector.shape_cast %get3A_656 : vector<1x16xf32> to vector<16xf32>
        %get3A_658 = arith.index_cast %scan3A_25 : i32 to index
        %get3A_659 = arith.constant 720 : index
        %get3A_660 = tpu.vector_load %arg8[%get3A_658, %get3A_659] {strides = array<i32>} : memref<40x768xf32, #tpu.memory_space<vmem>>, vector<1x16xf32>,
        %get3A_661 = vector.shape_cast %get3A_660 : vector<1x16xf32> to vector<16xf32>
        %add3A_662 = arith.addf %get3A_657, %get3A_661 : vector<16xf32>
        %swap3A_663 = arith.index_cast %scan3A_25 : i32 to index
        %swap3A_664 = arith.constant 720 : index
        %swap3A_665 = tpu.vector_load %arg9[%swap3A_663, %swap3A_664] {strides = array<i32>} : memref<40x768xf32, #tpu.memory_space<vmem>>, vector<1x16xf32>,
        %swap3A_666 = vector.shape_cast %swap3A_665 : vector<1x16xf32> to vector<16xf32>
        %swap3A_667 = vector.shape_cast %add3A_662 : vector<16xf32> to vector<1x16xf32>
        tpu.vector_store %arg9[%swap3A_663, %swap3A_664], %swap3A_667 {strides = array<i32>} : memref<40x768xf32, #tpu.memory_space<vmem>>, vector<1x16xf32>,
        %get3A_668 = arith.index_cast %scan3A_25 : i32 to index
        %get3A_669 = arith.constant 736 : index
        %get3A_670 = tpu.vector_load %arg9[%get3A_668, %get3A_669] {strides = array<i32>} : memref<40x768xf32, #tpu.memory_space<vmem>>, vector<1x16xf32>,
        %get3A_671 = vector.shape_cast %get3A_670 : vector<1x16xf32> to vector<16xf32>
        %get3A_672 = arith.index_cast %scan3A_25 : i32 to index
        %get3A_673 = arith.constant 736 : index
        %get3A_674 = tpu.vector_load %arg8[%get3A_672, %get3A_673] {strides = array<i32>} : memref<40x768xf32, #tpu.memory_space<vmem>>, vector<1x16xf32>,
        %get3A_675 = vector.shape_cast %get3A_674 : vector<1x16xf32> to vector<16xf32>
        %add3A_676 = arith.addf %get3A_671, %get3A_675 : vector<16xf32>
        %swap3A_677 = arith.index_cast %scan3A_25 : i32 to index
        %swap3A_678 = arith.constant 736 : index
        %swap3A_679 = tpu.vector_load %arg9[%swap3A_677, %swap3A_678] {strides = array<i32>} : memref<40x768xf32, #tpu.memory_space<vmem>>, vector<1x16xf32>,
        %swap3A_680 = vector.shape_cast %swap3A_679 : vector<1x16xf32> to vector<16xf32>
        %swap3A_681 = vector.shape_cast %add3A_676 : vector<16xf32> to vector<1x16xf32>
        tpu.vector_store %arg9[%swap3A_677, %swap3A_678], %swap3A_681 {strides = array<i32>} : memref<40x768xf32, #tpu.memory_space<vmem>>, vector<1x16xf32>,
        %get3A_682 = arith.index_cast %scan3A_25 : i32 to index
        %get3A_683 = arith.constant 752 : index
        %get3A_684 = tpu.vector_load %arg9[%get3A_682, %get3A_683] {strides = array<i32>} : memref<40x768xf32, #tpu.memory_space<vmem>>, vector<1x16xf32>,
        %get3A_685 = vector.shape_cast %get3A_684 : vector<1x16xf32> to vector<16xf32>
        %get3A_686 = arith.index_cast %scan3A_25 : i32 to index
        %get3A_687 = arith.constant 752 : index
        %get3A_688 = tpu.vector_load %arg8[%get3A_686, %get3A_687] {strides = array<i32>} : memref<40x768xf32, #tpu.memory_space<vmem>>, vector<1x16xf32>,
        %get3A_689 = vector.shape_cast %get3A_688 : vector<1x16xf32> to vector<16xf32>
        %add3A_690 = arith.addf %get3A_685, %get3A_689 : vector<16xf32>
        %swap3A_691 = arith.index_cast %scan3A_25 : i32 to index
        %swap3A_692 = arith.constant 752 : index
        %swap3A_693 = tpu.vector_load %arg9[%swap3A_691, %swap3A_692] {strides = array<i32>} : memref<40x768xf32, #tpu.memory_space<vmem>>, vector<1x16xf32>,
        %swap3A_694 = vector.shape_cast %swap3A_693 : vector<1x16xf32> to vector<16xf32>
        %swap3A_695 = vector.shape_cast %add3A_690 : vector<16xf32> to vector<1x16xf32>
        tpu.vector_store %arg9[%swap3A_691, %swap3A_692], %swap3A_695 {strides = array<i32>} : memref<40x768xf32, #tpu.memory_space<vmem>>, vector<1x16xf32>,
      }
      %scan3A_24 = arith.constant 40 : i32
      "tpu.region"() ({
        %run_scoped3A = tpu.sem_alloc : memref<!tpu.dma_semaphore, #tpu.memory_space<semaphore_mem>>
        %dma_start3A_25 = arith.constant 0 : i32
        %dma_start3A_26 = tpu.memref_slice %arg5[%mul3A_13, %dma_start3A_25] : memref<204800x768xf32, #tpu.memory_space<hbm>> -> memref<40x768xf32, #tpu.memory_space<hbm>>
        %dma_start3A_27 = arith.constant 0 : i32
        %dma_start3A_28 = tpu.memref_slice %arg5[%mul3A_13, %dma_start3A_27] : memref<204800x768xf32, #tpu.memory_space<hbm>> -> memref<40x768xf32, #tpu.memory_space<hbm>>
        tpu.enqueue_dma source(%arg9 : memref<40x768xf32, #tpu.memory_space<vmem>>) target(%dma_start3A_28 : memref<40x768xf32, #tpu.memory_space<hbm>>) target_semaphore(%run_scoped3A : memref<!tpu.dma_semaphore, #tpu.memory_space<semaphore_mem>>)
        %dma_wait3A_29 = arith.constant 0 : i32
        %dma_wait3A_30 = tpu.memref_slice %arg5[%mul3A_13, %dma_wait3A_29] : memref<204800x768xf32, #tpu.memory_space<hbm>> -> memref<40x768xf32, #tpu.memory_space<hbm>>
        %dma_wait3A_31 = arith.constant 0 : i32
        %dma_wait3A_32 = tpu.memref_slice %arg5[%mul3A_13, %dma_wait3A_31] : memref<204800x768xf32, #tpu.memory_space<hbm>> -> memref<40x768xf32, #tpu.memory_space<hbm>>
        tpu.wait_dma2 semaphore(%run_scoped3A : memref<!tpu.dma_semaphore, #tpu.memory_space<semaphore_mem>>) src(%arg9 : memref<40x768xf32, #tpu.memory_space<vmem>>) dst(%dma_wait3A_32 : memref<40x768xf32, #tpu.memory_space<hbm>>)
        tpu.yield
      }) : () -> ()
    }
    %scan3A_7 = arith.constant 160 : i32
    return
  }
}

</mosaic_0001>

<sc_bundles>
// kernel: kernel.3.cloned.1.call-start
scs
__scs_entry_jumppad:
0x0: {  	(pc) =	sbr.rel $0x88, $3  }
0x1: {  	(tag) =	ssettag $0x0;
	lr =	simm.s32 $0x1  }
0x2: {  	[smem:$0x3F9E] =	sst lr;
	_ =	strace $0xD0000000  }
0x3: {  	_ = 	snop  }
0x4: {  	_ = 	snop  }
0x5: {  	_ = 	snop  }
0x6: {  	_ = 	snop  }
0x7: {  	_ = 	snop  }
__scs_overlays_trampoline_lowered:
0x8: {  	[smem:$0x3FAD] =	sst s0  }
0x9: {  	[smem:$0x3FAE] =	sst s1  }
0xa: {  	[smem:$0x3FAF] =	sst s2  }
0xb: {  	[smem:$0x3FB0] =	sst s3  }
0xc: {  	[smem:$0x3FB1] =	sst s4  }
0xd: {  	[smem:$0x3FB2] =	sst s5  }
0xe: {  	[smem:$0x3FB3] =	sst s6  }
0xf: {  	[smem:$0x3FB4] =	sst s7  }
0x10: {  	[smem:$0x3FB5] =	sst s8  }
0x11: {  	[smem:$0x3FB6] =	sst s9;
	s0 =	simm.s32 @!p0 $0x0  }
0x12: {  	s1 =	sld [smem:$0x3F9C];
	s0 =	simm.s32 @p0 $0x1  }
0x13: {  	[smem:$0x3FB7] =	sst s0;
	s0 =	simm.s32 @!p1 $0x0  }
0x14: {  	s2 =	sld [smem:$0x3F9B];
	s0 =	simm.s32 @p1 $0x1  }
0x15: {  	[smem:$0x3FB8] =	sst s0;
	s0 =	simm.s32 @!p2 $0x0  }
0x16: {  	s3 =	sld [smem:$0x3FDB];
	s0 =	simm.s32 @p2 $0x1  }
0x17: {  	s4 =	simm.s32 $0x1BF5;
	[smem:$0x3FBA] =	sst s0  }
0x18: {  	s0 =	sld [smem:$0x3F9D];
	_ =	swait.ge [sflag:s4], $0x0  }
0x19: {  	s7 =	sld [smem:$0x3F9E]  }
0x1a: {  	s8 =	sadd.s32 $0xFFFFE003, lr  }
0x1b: {  	s9 =	sadd.s32 $0xFFFFFEF7, lr;
	s5 =	simm.s32 $0xFFFFFFFF;
	p2 =	slt.u32 s8, $0xFFFFF086  }
0x1c: {  	p1 =	slt.u32 s9, $0xF7A;
	s5 =	simm.s32 @!p2 $0x0  }
0x1d: {  	s5 =	simm.s32 @p1 $0x1;
	p0 =	seq.s32 s7, s2  }
0x1e: {  	s7 =	smul.u32 @!p0 $0xF7A, s2;
	p2 =	seq.s32 @!p0 s5, $0x0  }
0x1f: {  	s9 =	smul.u32 $0xF7A, s1;
	s8 =	simm.s32 @!p0 $0x1BF5;
	p2 =	por !p2, p0  }
0x20: {  	[sflag:s8] =	ssyncset.s32 @!p0 $0xFFFFF086;
	s6 =	sadd.s32 @!p0 s3, s7;
	s7 =	simm.s32 @!p0 $0x108  }
0x21: {  	s3 =	sadd.s32 s3, s9;
	s6 =	sadd.s32 @!p0 $0x88, s6;
	s7 =	simm.s32 @p2 $0x1082  }
0x22: {  	[simem:s7], [sflag:s8] =	dma.local @!p0 [hbm:s6], $0xF7A  }
0x23: {  	s9 =	sor.u32 $0xD0000000, s2;
	s6 =	simm.s32 $0x108;
	_ =	swait.ge @!p0 [sflag:s8], $0x0  }
0x24: {  	s3 =	sadd.s32 $0x88, s3;
	s6 =	simm.s32 @!p1 $0x1082;
	[sflag:s4] =	ssyncset.s32 $0xFFFFF086  }
0x25: {  	[simem:s6], [sflag:s4] =	dma.local [hbm:s3], $0xF7A  }
0x26: {  	[smem:$0x3F9E] =	sst s1;
	(tag) =	ssettag s2;
	_ =	strace s9  }
0x27: {  	s1 =	sld [smem:$0x3FAE]  }
0x28: {  	s2 =	sld [smem:$0x3FAF]  }
0x29: {  	s4 =	sld [smem:$0x3FB1]  }
0x2a: {  	p0 =	seq.s32 s5, $0x0;
	s5 =	sld [smem:$0x3FB2]  }
0x2b: {  	s6 =	sld [smem:$0x3FB3]  }
0x2c: {  	s7 =	sld [smem:$0x3FB4]  }
0x2d: {  	s3 =	simm.s32 $0x108;
	s8 =	sld [smem:$0x3FB5]  }
0x2e: {  	s3 =	simm.s32 @!p0 $0x1082;
	s9 =	sld [smem:$0x3FB6]  }
0x2f: {  	lr =	sadd.s32 s0, s3;
	s0 =	sld [smem:$0x3FAD]  }
0x30: {  	s3 =	sld [smem:$0x3FB0]  }
0x31: {  	[smem:$0x3FB9] =	sst s10  }
0x32: {  	s10 =	sld [smem:$0x3FB7];
	_ =	sdelay $0x3  }
0x33: {  	p0 =	seq.s32 s10, $0x1;
	s10 =	sld [smem:$0x3FB9];
	_ =	sdelay $0x3  }
0x34: {  	[smem:$0x3FB9] =	sst s10  }
0x35: {  	s10 =	sld [smem:$0x3FB8];
	_ =	sdelay $0x3  }
0x36: {  	p1 =	seq.s32 s10, $0x1;
	s10 =	sld [smem:$0x3FB9];
	_ =	sdelay $0x3  }
0x37: {  	[smem:$0x3FB9] =	sst s10  }
0x38: {  	s10 =	sld [smem:$0x3FBA]  }
0x39: {  	_ = 	snop;
	(pc) =	sbr.ind lr, $3  }
0x3a: {  	_ = 	snop  }
0x3b: {  	_ = 	snop  }
0x3c: {  	p2 =	seq.s32 s10, $0x1;
	s10 =	sld [smem:$0x3FB9]  }
0x3d: {  	_ =	shalt  }
0x3e: {  	_ =	shalt  }
0x3f: {  	_ =	shalt  }
0x40: {  	_ =	shalt  }
0x41: {  	_ =	shalt  }
0x42: {  	_ =	shalt  }
0x43: {  	_ =	shalt  }
0x44: {  	_ =	shalt  }
0x45: {  	_ =	shalt  }
0x46: {  	_ =	shalt  }
0x47: {  	_ =	shalt  }
0x48: {  	_ =	shalt  }
0x49: {  	_ =	shalt  }
0x4a: {  	_ =	shalt  }
0x4b: {  	_ =	shalt  }
0x4c: {  	_ =	shalt  }
0x4d: {  	_ =	shalt  }
0x4e: {  	_ =	shalt  }
0x4f: {  	_ =	shalt  }
0x50: {  	_ =	shalt  }
0x51: {  	_ =	shalt  }
0x52: {  	_ =	shalt  }
0x53: {  	_ =	shalt  }
0x54: {  	_ =	shalt  }
0x55: {  	_ =	shalt  }
0x56: {  	_ =	shalt  }
0x57: {  	_ =	shalt  }
0x58: {  	_ =	shalt  }
0x59: {  	_ =	shalt  }
0x5a: {  	_ =	shalt  }
0x5b: {  	_ =	shalt  }
0x5c: {  	_ =	shalt  }
0x5d: {  	_ =	shalt  }
0x5e: {  	_ =	shalt  }
0x5f: {  	_ =	shalt  }
0x60: {  	_ =	shalt  }
0x61: {  	_ =	shalt  }
0x62: {  	_ =	shalt  }
0x63: {  	_ =	shalt  }
0x64: {  	_ =	shalt  }
0x65: {  	_ =	shalt  }
0x66: {  	_ =	shalt  }
0x67: {  	_ =	shalt  }
0x68: {  	_ =	shalt  }
0x69: {  	_ =	shalt  }
0x6a: {  	_ =	shalt  }
0x6b: {  	_ =	shalt  }
0x6c: {  	_ =	shalt  }
0x6d: {  	_ =	shalt  }
0x6e: {  	_ =	shalt  }
0x6f: {  	_ =	shalt  }
0x70: {  	_ =	shalt  }
0x71: {  	_ =	shalt  }
0x72: {  	_ =	shalt  }
0x73: {  	_ =	shalt  }
0x74: {  	_ =	shalt  }
0x75: {  	_ =	shalt  }
0x76: {  	_ =	shalt  }
0x77: {  	_ =	shalt  }
0x78: {  	_ =	shalt  }
0x79: {  	_ =	shalt  }
0x7a: {  	_ =	shalt  }
0x7b: {  	_ =	shalt  }
0x7c: {  	_ =	shalt  }
0x7d: {  	_ =	shalt  }
0x7e: {  	_ =	shalt  }
0x7f: {  	_ =	shalt  }
0x80: {  	_ =	shalt  }
0x81: {  	_ =	shalt  }
0x82: {  	_ =	shalt  }
0x83: {  	_ =	shalt  }
0x84: {  	_ =	shalt  }
0x85: {  	_ =	shalt  }
0x86: {  	_ =	shalt  }
0x87: {  	_ =	shalt  }
.Lfunc_end0:
.L_simem_size_0:
called_computation_lowered:
.L_overlay_start_0:
0x88: {  	s2 =	sld [smem:$0x3FD9]  }
0x89: {  	s3 =	sld [smem:$0x3FFE];
	_ =	sdelay $0x1  }
0x8a: {  	s1 =	srdreg.scid  }
0x8b: {  	s0 =	sand.u32 $0x1, s1  }
0x8c: {  	s17 =	sshll.u32 s0, $0xA;
	s2 =	sadd.s32 s3, s2  }
0x8d: {  	s2 =	sadd.s32 s2, s17  }
0x8e: {  	[smem:$0x3FC5] =	sst s2  }
0x8f: {  	_ = 	snop  }
0x90: {  	s2 =	sld [smem:$0x3FC8]  }
0x91: {  	s18 =	sld [smem:$0x3FD0];
	(tm) =	ssettm $0x1  }
0x92: {  	s4 =	sld [smem:$0x3FFB];
	_ =	sdelay $0x3  }
0x93: {  	_ =	strace s4  }
0x94: {  	s4 =	sld [smem:$0x3FFC];
	_ =	sdelay $0x3  }
0x95: {  	_ =	strace s4  }
0x96: {  	s4 =	sld [smem:$0x3FFD];
	_ =	sdelay $0x3  }
0x97: {  	_ =	strace s4  }
0x98: {  	_ =	strace $0x8FFFFFFF  }
0x99: {  	s19 =	sld [smem:$0x3FDB];
	_ =	sdelay $0x1  }
0x9a: {  	s5 =	simm.s32 $_scs_section_size  }
0x9b: {  	s6 =	simm.s32 $_size__tile_overlayer_lowered;
	s7 =	simm.s32 $_tile_overlayer_lowered  }
0x9c: {  	s22 =	simm.s32 $0x1BFF;
	s21 =	sshll.u32 s7, $0x1;
	s4 =	sadd.s32 s5, s19  }
0x9d: {  	s8 =	simm.s32 $0x0;
	s20 =	sshll.u32 s6, $0x1;
	s6 =	sadd.s32 s21, s4  }
0x9e: {  	[timem:s8], [sflag:s22] =	dma.local [hbm:s6], s20  }
0x9f: {  	_ =	swait.ge [sflag:s22], s20  }
0xa0: {  	s5 =	ssub.s32 $0x0, s20;
	[sflag:s22] =	ssyncset.done $0x0  }
0xa1: {  	[sflag:s22] =	ssyncadd.s32 s5;
	_ =	sdelay $0x1  }
0xa2: {  	s23 =	simm.s32 $0x1B8B  }
0xa3: {  	_ =	swait.ge [sflag:s23], $0x1  }
0xa4: {  	[sflag:s23] =	ssyncset.done $0x0  }
0xa5: {  	s25 =	simm.s32 $0x1B8E;
	s24 =	sld [smem:$0x3FFE];
	[sflag:s23] =	ssyncadd.s32 $0xFFFFFFFF  }
0xa6: {  	s26 =	simm.s32 $execute0_lowered;
	[smem:$0x3FD2] =	sst s25  }
0xa7: {  	s6 =	sshll.u32 s26, $0x1;
	_ =	strace $0x80000046;
	[dreg:$0x1] =	wrdreg $0xFFFFFFFF  }
0xa8: {  	s28 =	simm.s32 $_size_execute0_lowered;
	s4 =	sadd.s32 s4, s6;
	[dreg:$0x0] =	wrdreg $0x0  }
0xa9: {  	s6 =	sshll.u32 s28, $0x1;
	[dreg:$0x2] =	wrdreg s4  }
0xaa: {  	[dreg:$0x3] =	wrdreg s6  }
0xab: {  	[dreg:$0x4] =	wrdreg $0xC0  }
0xac: {  	_ =	task [dreg:s8], $0x5FFFF  }
0xad: {  	[dreg:$0x1] =	wrdreg $0xFFFFFFFF  }
0xae: {  	[dreg:$0x0] =	wrdreg $0x60  }
0xaf: {  	[dreg:$0x2] =	wrdreg s2  }
0xb0: {  	[dreg:$0x3] =	wrdreg s24  }
0xb1: {  	[dreg:$0x4] =	wrdreg s18  }
0xb2: {  	[dreg:$0x5] =	wrdreg $0x0  }
0xb3: {  	[dreg:$0x6] =	wrdreg $0x9  }
0xb4: {  	_ =	task.clear_ibuf [dreg:s8], $0x7FFFF;
	_ =	strace $0x90000046  }
0xb5: {  	s29 =	simm.s32 $0x9;
	_ =	strace $0x80000048  }
0xb6: {  	_ =	swait.ge [sflag:s29], $0x1  }
0xb7: {  	[sflag:s29] =	ssyncadd.s32 $0xFFFFFFFF  }
0xb8: {  	_ =	strace $0x90000048  }
0xb9: {  	_ =	sfence  }
0xba: {  	s30 =	sld [smem:$0x0];
	_ =	sdelay $0x2  }
0xbb: {  	s31 =	sshll.u32 s1, $0xD;
	s1 =	sshrl.u32 s1, $0x2  }
0xbc: {  	s3 =	sand.u32 $0x4000, s31;
	s1 =	sadd.s32 s1, s30  }
0xbd: {  	s0 =	sor.u32 s3, s0;
	s1 =	sshll.u32 s1, $0x11  }
0xbe: {  	s0 =	sor.u32 s1, s0  }
0xbf: {  	s0 =	sadd.s32 $0x8F2B, s0  }
0xc0: {  	[sflag:s0] =	ssyncadd.remote.s32 $0x1  }
0xc1: {  	_ =	sfence.sel $0xFFFF  }
0xc2: {  	[dreg:$0x0] =	wrdreg $0xFFFFFFFF;
	(pc) =	sbr.abs _section_cstart, $3  }
0xc3: {  	[dreg:$0x1] =	wrdreg $0xFFFFFFFF  }
0xc4: {  	_ =	task.clear_ibuf [dreg:s8], $0x2FFFF;
	_ =	strace $0x9FFFFFFF  }
0xc5: {  	(tm) =	ssettm $0x7FFFFFFF  }
tec
execute0_lowered:
.L_overlay_start_1:
0x0: {  	(tag) =	ssettag $0x1  }
0x1: {  	s1 =	rddreg [dreg:$0x0]  }
0x2: {  	s0 =	rddreg [dreg:$0x1]  }
0x3: {  	s3 =	rddreg [dreg:$0x3]  }
0x4: {  	s2 =	simm.s32 $0x0;
	s25 =	srdreg.scid;
	s6 =	stileid.u32  }
0x5: {  	s13 =	simm.s32 $0x2;
	s14 =	simm.s32 $0x9E00;
	s15 =	simm.s32 $0xA600  }
0x6: {  	s16 =	simm.s32 $0xAE00;
	s17 =	simm.s32 $0xB600;
	s18 =	simm.s32 $0xBE00  }
0x7: {  	s19 =	simm.s32 $0xC600;
	s20 =	simm.s32 $0xCE00;
	s21 =	simm.s32 $0xD600  }
0x8: {  	s22 =	simm.s32 $0xDE00;
	s23 =	simm.s32 $0xE600;
	s24 =	simm.s32 $0xEE00  }
0x9: {  	s28 =	simm.s32 $0x10600;
	s29 =	simm.s32 $0x10E00;
	s30 =	simm.s32 $0x2600  }
0xa: {  	s31 =	simm.s32 $0x1;
	[smem:$0x7FF] =	sst s2;
	s2 =	sand.u32 $0x1, s25  }
0xb: {  	s5 =	sadd.s32 $0x5000, s0;
	s8 =	sshll.u32 s6, $0x1;
	s0 =	sadd.s32 $0x400, s0  }
0xc: {  	s9 =	sadd.s32 $0x200, s1;
	p0 =	sne.s32 s6, $0x0;
	s7 =	ssub.s32 $0x2, s2  }
0xd: {  	s12 =	smov.u32 s3;
	s25 =	simm.s32 $0xF600;
	s26 =	sshrl.u32 s7, $0x1  }
0xe: {  	_ =	strace $0x80000047;
	[dreg:$0x5] =	wrdreg s0;
	s0 =	ssub.s32 s7, s26  }
0xf: {  	v2 =	vlaneseq.u32;
	s2 =	sor.u32 s2, s8;
	s8 =	sadd.s32 $0x100, s1;
	s0 =	smax.u32 s0, $0x1  }
0x10: {  	vm0 =	vmmov $0xffff;
	v1 =	vshrl.u32 v2, $0x3;
	s7 =	smul.u32 $0xA0, s2;
	[dreg:$0x6] =	wrdreg s0;
	s0 =	sshrl.u32 @!p0 s3, $0x3  }
0x11: {  	v0 =	vand.u32 $0x7, v2;
	v2 =	vor.u32 $0x8, v2;
	v1 =	vmul.u32 $0x8, v1;
	s26 =	simm.s32 $0xFE00;
	s2 =	simm.s32 $0x0;
	[dreg:$0x7] =	wrdreg s0  }
.LBB2_1:
0x12: {  	[dreg:$0x8] =	wrdreg s2  }
0x13: {  	s2 =	rddreg [dreg:$0x5]  }
0x14: {  	s0 =	simm.s32 @!p0 $0x1C02;
	s3 =	rddreg [dreg:$0x7]  }
0x15: {  	[spmem:s3], [sflag:s0] =	dma.local @!p0 [hbm:s2], $0x4B00  }
0x16: {  	s0 =	simm.s32 @!p0 $0x2  }
0x17: {  	_ =	swait.ge @!p0 [sflag:s0], $0x4B00  }
0x18: {  	[sflag:s0] =	ssyncset.done @!p0 $0x0  }
0x19: {  	[sflag:s0] =	ssyncadd.s32 @!p0 $0xFFFFB500  }
0x1a: {  	s6 =	simm.s32 $0x0;
	[bflag:$0x0] =	sbarrier.arrive $0xFFFF  }
.LBB2_2:
0x1b: {  	s0 =	sadd.s32 s7, s6  }
0x1c: {  	s0 =	smul.u32 $0x28, s0;
	_ =	sdelay $0x1  }
0x1d: {  	s10 =	sshrl.u32 s0, $0x3  }
0x1e: {  	s11 =	simm.s32 $0x0;
	s3 =	simm.s32 $0x2580;
	s2 =	sadd.s32 s5, s10  }
0x1f: {  	[tilespmem:s3], [sflag:$0x2] =	stream.linear.gather [hbm4b:s2+s11], $0x28, $0x38;
	[tilespmem:$0x11600] =	vst v63  }
0x20: {  	_ =	swait.ge [sflag:s13], $0x28  }
0x21: {  	[sflag:s13] =	ssyncset.done $0x0  }
0x22: {  	[sflag:s13] =	ssyncadd.s32 $0xFFFFFFD8  }
0x23: {  	v3 =	vld [tilespmem:$0x2580];
	_ =	sdelay $0x4  }
0x24: {  	v4 =	vshrl.u32 v3, $0x3  }
0x25: {  	v4 =	vmul.u32 $0x30, v4  }
0x26: {  	v3 =	vand.u32 $0x7, v3  }
0x27: {  	v3 =	vor.u32 v3, v4  }
0x28: {  	v4 =	vperm.xlane v3, v0;
	_ =	sdelay $0x1  }
0x29: {  	v4 =	vadd.s32 v1, v4;
	_ =	sdelay $0x3  }
0x2a: {  	v3 =	vperm.xlane v3, v2  }
0x2b: {  	[tilespmem:s14], [sflag:$0x1] =	stream.indirect_vreg.gather [hbm4b:s1+s11], $0x80, v4, vm0, $0xb8;
	[tilespmem:$0x11600] =	vst v63  }
0x2c: {  	v3 =	vadd.s32 v1, v3  }
0x2d: {  	[tilespmem:s15], [sflag:$0x1] =	stream.indirect_vreg.gather [hbm4b:s8+s11], $0x80, v4, vm0, $0xb8;
	[tilespmem:$0x11600] =	vst v63  }
0x2e: {  	_ = 	snop  }
0x2f: {  	[tilespmem:s16], [sflag:$0x1] =	stream.indirect_vreg.gather [hbm4b:s9+s11], $0x80, v4, vm0, $0xb8;
	[tilespmem:$0x11600] =	vst v63  }
0x30: {  	_ = 	snop  }
0x31: {  	[tilespmem:s17], [sflag:$0x1] =	stream.indirect_vreg.gather [hbm4b:s1+s11], $0x80, v3, vm0, $0xb8;
	[tilespmem:$0x11600] =	vst v63  }
0x32: {  	_ = 	snop  }
0x33: {  	[tilespmem:s18], [sflag:$0x1] =	stream.indirect_vreg.gather [hbm4b:s8+s11], $0x80, v3, vm0, $0xb8;
	[tilespmem:$0x11600] =	vst v63  }
0x34: {  	_ = 	snop  }
0x35: {  	[tilespmem:s19], [sflag:$0x1] =	stream.indirect_vreg.gather [hbm4b:s9+s11], $0x80, v3, vm0, $0xb8;
	[tilespmem:$0x11600] =	vst v63  }
0x36: {  	v3 =	vld [tilespmem:$0x2590];
	_ =	sdelay $0x4  }
0x37: {  	v4 =	vshrl.u32 v3, $0x3  }
0x38: {  	v4 =	vmul.u32 $0x30, v4  }
0x39: {  	v3 =	vand.u32 $0x7, v3  }
0x3a: {  	v3 =	vor.u32 v3, v4  }
0x3b: {  	v4 =	vperm.xlane v3, v0;
	_ =	sdelay $0x1  }
0x3c: {  	v4 =	vadd.s32 v1, v4;
	_ =	sdelay $0x3  }
0x3d: {  	v3 =	vperm.xlane v3, v2  }
0x3e: {  	[tilespmem:s20], [sflag:$0x1] =	stream.indirect_vreg.gather [hbm4b:s1+s11], $0x80, v4, vm0, $0xb8;
	[tilespmem:$0x11600] =	vst v63  }
0x3f: {  	v3 =	vadd.s32 v1, v3  }
0x40: {  	[tilespmem:s21], [sflag:$0x1] =	stream.indirect_vreg.gather [hbm4b:s8+s11], $0x80, v4, vm0, $0xb8;
	[tilespmem:$0x11600] =	vst v63  }
0x41: {  	_ = 	snop  }
0x42: {  	[tilespmem:s22], [sflag:$0x1] =	stream.indirect_vreg.gather [hbm4b:s9+s11], $0x80, v4, vm0, $0xb8;
	[tilespmem:$0x11600] =	vst v63  }
0x43: {  	_ = 	snop  }
0x44: {  	[tilespmem:s23], [sflag:$0x1] =	stream.indirect_vreg.gather [hbm4b:s1+s11], $0x80, v3, vm0, $0xb8;
	[tilespmem:$0x11600] =	vst v63  }
0x45: {  	_ = 	snop  }
0x46: {  	[tilespmem:s24], [sflag:$0x1] =	stream.indirect_vreg.gather [hbm4b:s8+s11], $0x80, v3, vm0, $0xb8;
	[tilespmem:$0x11600] =	vst v63  }
0x47: {  	_ = 	snop  }
0x48: {  	[tilespmem:s25], [sflag:$0x1] =	stream.indirect_vreg.gather [hbm4b:s9+s11], $0x80, v3, vm0, $0xb8;
	[tilespmem:$0x11600] =	vst v63  }
0x49: {  	v3 =	vld.msk [tilespmem:$0x25A0], $0xff;
	_ =	sdelay $0x4  }
0x4a: {  	v4 =	vshrl.u32 v3, $0x3  }
0x4b: {  	v4 =	vmul.u32 $0x30, v4  }
0x4c: {  	v3 =	vand.u32 $0x7, v3  }
0x4d: {  	v3 =	vor.u32 v3, v4  }
0x4e: {  	s4 =	smulhi.u32 $0x51EB851F, s0;
	v3 =	vperm.xlane v3, v0;
	_ =	sdelay $0x1  }
0x4f: {  	s2 =	sshrl.u32 s4, $0x6;
	v3 =	vadd.s32 v1, v3  }
0x50: {  	s2 =	smul.u32 $0xC8, s2;
	_ =	sdelay $0x1  }
0x51: {  	s0 =	ssub.s32 s0, s2  }
0x52: {  	s0 =	sshrl.u32 s0, $0x3  }
0x53: {  	[tilespmem:s26], [sflag:$0x1] =	stream.indirect_vreg.gather [hbm4b:s1+s11], $0x80, v3, vm0, $0xb8;
	[tilespmem:$0x11600] =	vst v63  }
0x54: {  	s0 =	smul.u32 $0x6000, s0  }
0x55: {  	[tilespmem:s28], [sflag:$0x1] =	stream.indirect_vreg.gather [hbm4b:s8+s11], $0x80, v3, vm0, $0xb8;
	[tilespmem:$0x11600] =	vst v63  }
0x56: {  	s0 =	sshrl.u32 s0, $0x2  }
0x57: {  	[tilespmem:s29], [sflag:$0x1] =	stream.indirect_vreg.gather [hbm4b:s9+s11], $0x80, v3, vm0, $0xb8;
	[tilespmem:$0x11600] =	vst v63  }
0x58: {  	s0 =	sadd.s32 s0, s12  }
0x59: {  	[tilespmem:s30], [sflag:$0x2] =	stream.linear.gather [spmem:s0], $0x7800, $0x38;
	[tilespmem:$0x11600] =	vst v63  }
0x5a: {  	_ =	swait.ge [sflag:s13], $0x7800  }
0x5b: {  	[sflag:s13] =	ssyncset.done $0x0  }
0x5c: {  	s3 =	simm.s32 $0x0;
	[sflag:s13] =	ssyncadd.s32 $0xFFFF8800  }
0x5d: {  	s0 =	smul.u32 $0x1800, s3;
	_ =	swait.ge [sflag:s31], $0x7800  }
0x5e: {  	s4 =	sand.u32 $0x380, s11;
	[sflag:s31] =	ssyncset.done $0x0  }
0x5f: {  	s0 =	sor.u32 s4, s0;
	[sflag:s31] =	ssyncadd.s32 $0xFFFF8800  }
0x60: {  	v12 =	vld [tilespmem:s0+$0x2600]  }
0x61: {  	v13 =	vld [tilespmem:s0+$0x2610]  }
0x62: {  	v14 =	vld [tilespmem:s0+$0x2620]  }
0x63: {  	v15 =	vld [tilespmem:s0+$0x2630]  }
0x64: {  	v16 =	vld [tilespmem:s0+$0x2640]  }
0x65: {  	v17 =	vld [tilespmem:s0+$0x2650]  }
0x66: {  	v18 =	vld [tilespmem:s0+$0x2660]  }
0x67: {  	v19 =	vld [tilespmem:s0+$0x2670]  }
0x68: {  	v20 =	vld [tilespmem:s0+$0x2A00]  }
0x69: {  	v21 =	vld [tilespmem:s0+$0x2A10]  }
0x6a: {  	v22 =	vld [tilespmem:s0+$0x2A20]  }
0x6b: {  	v23 =	vld [tilespmem:s0+$0x2A30]  }
0x6c: {  	v24 =	vld [tilespmem:s0+$0x2A40]  }
0x6d: {  	v25 =	vld [tilespmem:s0+$0x2A50]  }
0x6e: {  	v26 =	vld [tilespmem:s0+$0x2A60]  }
0x6f: {  	v27 =	vld [tilespmem:s0+$0x2A70]  }
0x70: {  	v28 =	vld [tilespmem:s0+$0x2E00]  }
0x71: {  	v29 =	vld [tilespmem:s0+$0x2E10]  }
0x72: {  	v30 =	vld [tilespmem:s0+$0x2E20]  }
0x73: {  	v31 =	vld [tilespmem:s0+$0x2E30]  }
0x74: {  	v32 =	vld [tilespmem:s0+$0x2E40]  }
0x75: {  	v33 =	vld [tilespmem:s0+$0x2E50]  }
0x76: {  	v34 =	vld [tilespmem:s0+$0x2E60]  }
0x77: {  	v35 =	vld [tilespmem:s0+$0x2E70]  }
0x78: {  	v36 =	vld [tilespmem:s0+$0x3200]  }
0x79: {  	v37 =	vld [tilespmem:s0+$0x3210]  }
0x7a: {  	v38 =	vld [tilespmem:s0+$0x3220]  }
0x7b: {  	v39 =	vld [tilespmem:s0+$0x3230]  }
0x7c: {  	v40 =	vld [tilespmem:s0+$0x3240]  }
0x7d: {  	v41 =	vld [tilespmem:s0+$0x3250]  }
0x7e: {  	v42 =	vld [tilespmem:s0+$0x3260]  }
0x7f: {  	v43 =	vld [tilespmem:s0+$0x3270]  }
0x80: {  	v44 =	vld [tilespmem:s0+$0x3600]  }
0x81: {  	v45 =	vld [tilespmem:s0+$0x3610]  }
0x82: {  	v46 =	vld [tilespmem:s0+$0x3620]  }
0x83: {  	v47 =	vld [tilespmem:s0+$0x3630]  }
0x84: {  	v48 =	vld [tilespmem:s0+$0x3640]  }
0x85: {  	v49 =	vld [tilespmem:s0+$0x3650]  }
0x86: {  	v50 =	vld [tilespmem:s0+$0x3660]  }
0x87: {  	v11 =	vld [tilespmem:s0+$0x3670]  }
0x88: {  	v10 =	vld [tilespmem:s0+$0x3A00]  }
0x89: {  	v9 =	vld [tilespmem:s0+$0x3A10]  }
0x8a: {  	v8 =	vld [tilespmem:s0+$0x3A20]  }
0x8b: {  	v7 =	vld [tilespmem:s0+$0x3A30]  }
0x8c: {  	v6 =	vld [tilespmem:s0+$0x3A40]  }
0x8d: {  	v51 =	vld [tilespmem:s0+$0x9E00]  }
0x8e: {  	v52 =	vld [tilespmem:s0+$0x9E10]  }
0x8f: {  	v53 =	vld [tilespmem:s0+$0x9E20]  }
0x90: {  	v54 =	vld [tilespmem:s0+$0x9E30]  }
0x91: {  	v55 =	vld [tilespmem:s0+$0x9E40]  }
0x92: {  	v62 =	vld [tilespmem:s0+$0x9E50];
	v12 =	vadd.f32 v12, v51  }
0x93: {  	v63 =	vld [tilespmem:s0+$0x9E60];
	v13 =	vadd.f32 v13, v52  }
0x94: {  	[tilespmem:s0+$0x9E00] =	vst v12;
	v12 =	vadd.f32 v14, v53;
	v14 =	vld [tilespmem:s0+$0x9E70]  }
0x95: {  	[tilespmem:s0+$0x9E10] =	vst v13;
	v13 =	vadd.f32 v15, v54;
	v15 =	vld [tilespmem:s0+$0xA200]  }
0x96: {  	[tilespmem:s0+$0x9E20] =	vst v12;
	v12 =	vadd.f32 v16, v55;
	v16 =	vld [tilespmem:s0+$0xA210]  }
0x97: {  	[tilespmem:s0+$0x9E30] =	vst v13;
	v13 =	vadd.f32 v17, v62;
	v17 =	vld [tilespmem:s0+$0xA220]  }
0x98: {  	v5 =	vld [tilespmem:s0+$0x3A50]  }
0x99: {  	[tilespmem:s0+$0x9E40] =	vst v12;
	v12 =	vadd.f32 v18, v63;
	v18 =	vld [tilespmem:s0+$0xA270]  }
0x9a: {  	[tilespmem:s0+$0x9E50] =	vst v13;
	v13 =	vadd.f32 v19, v14;
	v14 =	vld [tilespmem:s0+$0xA230]  }
0x9b: {  	[tilespmem:s0+$0x9E60] =	vst v12;
	v12 =	vadd.f32 v20, v15;
	v15 =	vld [tilespmem:s0+$0xA240]  }
0x9c: {  	[tilespmem:s0+$0x9E70] =	vst v13;
	v13 =	vadd.f32 v21, v16;
	v16 =	vadd.f32 v22, v17;
	v17 =	vld [tilespmem:s0+$0xA260]  }
0x9d: {  	[tilespmem:s0+$0xA200] =	vst v12;
	v12 =	vld [tilespmem:s0+$0xA250]  }
0x9e: {  	[tilespmem:s0+$0xA210] =	vst v13;
	v13 =	vld [tilespmem:s0+$0xA600];
	v18 =	vadd.f32 v27, v18  }
0x9f: {  	[tilespmem:s0+$0xA220] =	vst v16;
	v16 =	vld [tilespmem:s0+$0xA610];
	v14 =	vadd.f32 v23, v14  }
0xa0: {  	v4 =	vld [tilespmem:s0+$0x3A60];
	v15 =	vadd.f32 v24, v15;
	[tilespmem:s0+$0xA270] =	vst v18  }
0xa1: {  	[tilespmem:s0+$0xA230] =	vst v14;
	v14 =	vld [tilespmem:s0+$0xA620];
	v17 =	vadd.f32 v26, v17  }
0xa2: {  	v12 =	vadd.f32 v25, v12;
	[tilespmem:s0+$0xA240] =	vst v15;
	v15 =	vld [tilespmem:s0+$0xA630]  }
0xa3: {  	v18 =	vld [tilespmem:s0+$0xA670];
	[tilespmem:s0+$0xA260] =	vst v17;
	v13 =	vadd.f32 v28, v13  }
0xa4: {  	v16 =	vadd.f32 v29, v16;
	[tilespmem:s0+$0xA250] =	vst v12;
	v12 =	vld [tilespmem:s0+$0xA640]  }
0xa5: {  	v17 =	vld [tilespmem:s0+$0xA650];
	[tilespmem:s0+$0xA600] =	vst v13  }
0xa6: {  	[tilespmem:s0+$0xA610] =	vst v16;
	v16 =	vld [tilespmem:s0+$0xA660];
	v13 =	vadd.f32 v30, v14  }
0xa7: {  	v14 =	vld [tilespmem:s0+$0xAA00];
	v15 =	vadd.f32 v31, v15  }
0xa8: {  	[tilespmem:s0+$0xA620] =	vst v13;
	v13 =	vld [tilespmem:s0+$0xAA10]  }
0xa9: {  	v12 =	vadd.f32 v32, v12;
	[tilespmem:s0+$0xA630] =	vst v15;
	v15 =	vld [tilespmem:s0+$0xAA20]  }
0xaa: {  	v3 =	vld [tilespmem:s0+$0x3A70];
	v17 =	vadd.f32 v33, v17  }
0xab: {  	v16 =	vadd.f32 v34, v16;
	[tilespmem:s0+$0xA640] =	vst v12;
	v12 =	vld [tilespmem:s0+$0xAA30]  }
0xac: {  	[tilespmem:s0+$0xA650] =	vst v17;
	v17 =	vld [tilespmem:s0+$0xAA40];
	v14 =	vadd.f32 v36, v14  }
0xad: {  	v18 =	vadd.f32 v35, v18;
	[tilespmem:s0+$0xA660] =	vst v16;
	v16 =	vld [tilespmem:s0+$0xAA50]  }
0xae: {  	v13 =	vadd.f32 v37, v13;
	[tilespmem:s0+$0xAA00] =	vst v14;
	v14 =	vadd.f32 v38, v15;
	v15 =	vld [tilespmem:s0+$0xAA60]  }
0xaf: {  	[tilespmem:s0+$0xA670] =	vst v18;
	v18 =	vld [tilespmem:s0+$0xAA70]  }
0xb0: {  	[tilespmem:s0+$0xAA10] =	vst v13;
	v13 =	vld [tilespmem:s0+$0xAE00];
	v12 =	vadd.f32 v39, v12  }
0xb1: {  	v17 =	vadd.f32 v40, v17;
	[tilespmem:s0+$0xAA20] =	vst v14;
	v14 =	vld [tilespmem:s0+$0xAE10]  }
0xb2: {  	v16 =	vadd.f32 v41, v16;
	[tilespmem:s0+$0xAA30] =	vst v12;
	v12 =	vld [tilespmem:s0+$0xAE20]  }
0xb3: {  	[tilespmem:s0+$0xAA40] =	vst v17;
	v17 =	vld [tilespmem:s0+$0xAE30];
	v15 =	vadd.f32 v42, v15  }
0xb4: {  	v19 =	vld [tilespmem:s0+$0xAE40];
	[tilespmem:s0+$0xAA50] =	vst v16;
	v16 =	vadd.f32 v43, v18  }
0xb5: {  	v18 =	vld [tilespmem:s0+$0xAE50];
	v13 =	vadd.f32 v44, v13;
	[tilespmem:s0+$0xAA60] =	vst v15  }
0xb6: {  	v20 =	vld [tilespmem:s0+$0xAE60];
	[tilespmem:s0+$0xAA70] =	vst v16;
	v14 =	vadd.f32 v45, v14  }
0xb7: {  	v16 =	vld [tilespmem:s0+$0xAE70];
	[tilespmem:s0+$0xAE00] =	vst v13;
	v12 =	vadd.f32 v46, v12  }
0xb8: {  	v15 =	vld [tilespmem:s0+$0xB200];
	v13 =	vadd.f32 v47, v17;
	[tilespmem:s0+$0xAE10] =	vst v14  }
0xb9: {  	v14 =	vld [tilespmem:s0+$0xB210];
	[tilespmem:s0+$0xAE20] =	vst v12;
	v12 =	vadd.f32 v48, v19  }
0xba: {  	[tilespmem:s0+$0xAE30] =	vst v13;
	v13 =	vld [tilespmem:s0+$0xB220];
	v18 =	vadd.f32 v49, v18  }
0xbb: {  	s2 =	simm.s32 $0x1;
	v17 =	vadd.f32 v50, v20;
	[tilespmem:s0+$0xAE40] =	vst v12;
	v12 =	vld [tilespmem:s0+$0xB230]  }
.LBB2_3:
0xbc: {  	s3 =	sshrl.u32 s2, $0x3;
	p1 =	sne.s32 s2, $0x27;
	[tilespmem:s0+$0xAE50] =	vst v18;
	v11 =	vadd.f32 v11, v16;
	v16 =	vld [tilespmem:s0+$0xB240]  }
0xbd: {  	s11 =	sadd.s32 $0x80, s11;
	s3 =	smul.u32 $0x1800, s3;
	[tilespmem:s0+$0xAE60] =	vst v17;
	v10 =	vadd.f32 v10, v15;
	v15 =	vld [tilespmem:s0+$0xB250]  }
0xbe: {  	s4 =	sand.u32 $0x380, s11;
	[tilespmem:s0+$0xAE70] =	vst v11;
	v9 =	vadd.f32 v9, v14;
	v11 =	vld [tilespmem:s0+$0xB260]  }
0xbf: {  	s3 =	sor.u32 s4, s3;
	[tilespmem:s0+$0xB200] =	vst v10;
	v8 =	vadd.f32 v8, v13;
	v10 =	vld [tilespmem:s0+$0xB270]  }
0xc0: {  	v39 =	vld [tilespmem:s3+$0x2600];
	[tilespmem:s0+$0xB210] =	vst v9;
	v7 =	vadd.f32 v7, v12  }
0xc1: {  	v40 =	vld [tilespmem:s3+$0x2610];
	[tilespmem:s0+$0xB220] =	vst v8;
	v6 =	vadd.f32 v6, v16  }
0xc2: {  	v41 =	vld [tilespmem:s3+$0x2620];
	[tilespmem:s0+$0xB230] =	vst v7;
	v5 =	vadd.f32 v5, v15  }
0xc3: {  	v42 =	vld [tilespmem:s3+$0x2630];
	[tilespmem:s0+$0xB240] =	vst v6;
	v4 =	vadd.f32 v4, v11  }
0xc4: {  	v43 =	vld [tilespmem:s3+$0x2640];
	[tilespmem:s0+$0xB250] =	vst v5;
	v3 =	vadd.f32 v3, v10  }
0xc5: {  	v44 =	vld [tilespmem:s3+$0x2650];
	[tilespmem:s0+$0xB260] =	vst v4  }
0xc6: {  	v45 =	vld [tilespmem:s3+$0x2660];
	[tilespmem:s0+$0xB270] =	vst v3;
	s0 =	smov.u32 s3  }
0xc7: {  	v46 =	vld [tilespmem:s0+$0x2670]  }
0xc8: {  	v47 =	vld [tilespmem:s0+$0x2A00]  }
0xc9: {  	v48 =	vld [tilespmem:s0+$0x2A10]  }
0xca: {  	v49 =	vld [tilespmem:s0+$0x2A20]  }
0xcb: {  	v50 =	vld [tilespmem:s0+$0x2A30]  }
0xcc: {  	v38 =	vld [tilespmem:s0+$0x2A40]  }
0xcd: {  	v37 =	vld [tilespmem:s0+$0x2A50]  }
0xce: {  	v36 =	vld [tilespmem:s0+$0x2A60]  }
0xcf: {  	v35 =	vld [tilespmem:s0+$0x2A70]  }
0xd0: {  	v34 =	vld [tilespmem:s0+$0x2E00]  }
0xd1: {  	v33 =	vld [tilespmem:s0+$0x2E10]  }
0xd2: {  	v32 =	vld [tilespmem:s0+$0x2E20]  }
0xd3: {  	v31 =	vld [tilespmem:s0+$0x2E30]  }
0xd4: {  	v30 =	vld [tilespmem:s0+$0x2E40]  }
0xd5: {  	v29 =	vld [tilespmem:s0+$0x2E50]  }
0xd6: {  	v28 =	vld [tilespmem:s0+$0x2E60]  }
0xd7: {  	v27 =	vld [tilespmem:s0+$0x2E70]  }
0xd8: {  	v26 =	vld [tilespmem:s0+$0x3200]  }
0xd9: {  	v25 =	vld [tilespmem:s0+$0x3210]  }
0xda: {  	v24 =	vld [tilespmem:s0+$0x3220]  }
0xdb: {  	v23 =	vld [tilespmem:s0+$0x3230]  }
0xdc: {  	v22 =	vld [tilespmem:s0+$0x3240]  }
0xdd: {  	v21 =	vld [tilespmem:s0+$0x3250]  }
0xde: {  	v20 =	vld [tilespmem:s0+$0x3260]  }
0xdf: {  	v19 =	vld [tilespmem:s0+$0x3270]  }
0xe0: {  	v18 =	vld [tilespmem:s0+$0x3600]  }
0xe1: {  	v17 =	vld [tilespmem:s0+$0x3610]  }
0xe2: {  	v16 =	vld [tilespmem:s0+$0x3620]  }
0xe3: {  	v15 =	vld [tilespmem:s0+$0x3630]  }
0xe4: {  	v14 =	vld [tilespmem:s0+$0x3640]  }
0xe5: {  	v13 =	vld [tilespmem:s0+$0x3650]  }
0xe6: {  	v12 =	vld [tilespmem:s0+$0x3660]  }
0xe7: {  	v11 =	vld [tilespmem:s0+$0x3670]  }
0xe8: {  	v10 =	vld [tilespmem:s0+$0x3A00]  }
0xe9: {  	v9 =	vld [tilespmem:s0+$0x3A10]  }
0xea: {  	v8 =	vld [tilespmem:s0+$0x3A20]  }
0xeb: {  	v7 =	vld [tilespmem:s0+$0x3A30]  }
0xec: {  	v6 =	vld [tilespmem:s0+$0x3A40]  }
0xed: {  	v5 =	vld [tilespmem:s0+$0x3A50]  }
0xee: {  	v4 =	vld [tilespmem:s0+$0x3A60]  }
0xef: {  	v3 =	vld [tilespmem:s0+$0x3A70]  }
0xf0: {  	v51 =	vld [tilespmem:s0+$0x9E00]  }
0xf1: {  	v52 =	vld [tilespmem:s0+$0x9E10]  }
0xf2: {  	v53 =	vld [tilespmem:s0+$0x9E20]  }
0xf3: {  	v54 =	vld [tilespmem:s0+$0x9E30]  }
0xf4: {  	v55 =	vld [tilespmem:s0+$0x9E40]  }
0xf5: {  	v39 =	vadd.f32 v39, v51;
	v51 =	vld [tilespmem:s0+$0x9E50]  }
0xf6: {  	v40 =	vadd.f32 v40, v52;
	v52 =	vld [tilespmem:s0+$0x9E60]  }
0xf7: {  	[tilespmem:s0+$0x9E00] =	vst v39;
	v39 =	vadd.f32 v41, v53;
	v41 =	vld [tilespmem:s0+$0x9E70]  }
0xf8: {  	[tilespmem:s0+$0x9E10] =	vst v40;
	v40 =	vadd.f32 v42, v54;
	v42 =	vld [tilespmem:s0+$0xA200]  }
0xf9: {  	[tilespmem:s0+$0x9E20] =	vst v39;
	v39 =	vadd.f32 v43, v55;
	v43 =	vld [tilespmem:s0+$0xA210]  }
0xfa: {  	[tilespmem:s0+$0x9E30] =	vst v40;
	v40 =	vadd.f32 v44, v51;
	v44 =	vld [tilespmem:s0+$0xA220]  }
0xfb: {  	[tilespmem:s0+$0x9E40] =	vst v39;
	v39 =	vadd.f32 v45, v52;
	v45 =	vld [tilespmem:s0+$0xA230]  }
0xfc: {  	[tilespmem:s0+$0x9E50] =	vst v40;
	v40 =	vadd.f32 v46, v41;
	v41 =	vld [tilespmem:s0+$0xA240]  }
0xfd: {  	[tilespmem:s0+$0x9E60] =	vst v39;
	v39 =	vadd.f32 v47, v42;
	v42 =	vld [tilespmem:s0+$0xA250]  }
0xfe: {  	[tilespmem:s0+$0x9E70] =	vst v40;
	v40 =	vadd.f32 v48, v43;
	v43 =	vld [tilespmem:s0+$0xA260]  }
0xff: {  	[tilespmem:s0+$0xA200] =	vst v39;
	v39 =	vadd.f32 v49, v44;
	v44 =	vld [tilespmem:s0+$0xA270]  }
0x100: {  	[tilespmem:s0+$0xA210] =	vst v40;
	v40 =	vadd.f32 v50, v45;
	v45 =	vld [tilespmem:s0+$0xA600]  }
0x101: {  	[tilespmem:s0+$0xA220] =	vst v39;
	v38 =	vadd.f32 v38, v41;
	v39 =	vld [tilespmem:s0+$0xA610]  }
0x102: {  	[tilespmem:s0+$0xA230] =	vst v40;
	v37 =	vadd.f32 v37, v42;
	v40 =	vld [tilespmem:s0+$0xA620]  }
0x103: {  	[tilespmem:s0+$0xA240] =	vst v38;
	v36 =	vadd.f32 v36, v43;
	v38 =	vld [tilespmem:s0+$0xA630]  }
0x104: {  	[tilespmem:s0+$0xA250] =	vst v37;
	v35 =	vadd.f32 v35, v44;
	v37 =	vld [tilespmem:s0+$0xA640]  }
0x105: {  	[tilespmem:s0+$0xA260] =	vst v36;
	v34 =	vadd.f32 v34, v45;
	v36 =	vld [tilespmem:s0+$0xA650]  }
0x106: {  	[tilespmem:s0+$0xA270] =	vst v35;
	v33 =	vadd.f32 v33, v39;
	v35 =	vld [tilespmem:s0+$0xA660]  }
0x107: {  	[tilespmem:s0+$0xA600] =	vst v34;
	v32 =	vadd.f32 v32, v40;
	v34 =	vld [tilespmem:s0+$0xA670]  }
0x108: {  	[tilespmem:s0+$0xA610] =	vst v33;
	v31 =	vadd.f32 v31, v38;
	v33 =	vld [tilespmem:s0+$0xAA00]  }
0x109: {  	[tilespmem:s0+$0xA620] =	vst v32;
	v30 =	vadd.f32 v30, v37;
	v32 =	vld [tilespmem:s0+$0xAA10]  }
0x10a: {  	[tilespmem:s0+$0xA630] =	vst v31;
	v29 =	vadd.f32 v29, v36;
	v31 =	vld [tilespmem:s0+$0xAA20]  }
0x10b: {  	[tilespmem:s0+$0xA640] =	vst v30;
	v28 =	vadd.f32 v28, v35;
	v30 =	vld [tilespmem:s0+$0xAA30]  }
0x10c: {  	[tilespmem:s0+$0xA650] =	vst v29;
	v27 =	vadd.f32 v27, v34;
	v29 =	vld [tilespmem:s0+$0xAA40]  }
0x10d: {  	[tilespmem:s0+$0xA660] =	vst v28;
	v26 =	vadd.f32 v26, v33;
	v28 =	vld [tilespmem:s0+$0xAA50]  }
0x10e: {  	[tilespmem:s0+$0xA670] =	vst v27;
	v25 =	vadd.f32 v25, v32;
	v27 =	vld [tilespmem:s0+$0xAA60]  }
0x10f: {  	[tilespmem:s0+$0xAA00] =	vst v26;
	v24 =	vadd.f32 v24, v31;
	v26 =	vld [tilespmem:s0+$0xAA70]  }
0x110: {  	[tilespmem:s0+$0xAA10] =	vst v25;
	v23 =	vadd.f32 v23, v30;
	v25 =	vld [tilespmem:s0+$0xAE00]  }
0x111: {  	[tilespmem:s0+$0xAA20] =	vst v24;
	v22 =	vadd.f32 v22, v29;
	v24 =	vld [tilespmem:s0+$0xAE10]  }
0x112: {  	[tilespmem:s0+$0xAA30] =	vst v23;
	v21 =	vadd.f32 v21, v28;
	v23 =	vld [tilespmem:s0+$0xAE20]  }
0x113: {  	[tilespmem:s0+$0xAA40] =	vst v22;
	v20 =	vadd.f32 v20, v27;
	v22 =	vld [tilespmem:s0+$0xAE30]  }
0x114: {  	[tilespmem:s0+$0xAA50] =	vst v21;
	v19 =	vadd.f32 v19, v26;
	v21 =	vld [tilespmem:s0+$0xAE40]  }
0x115: {  	[tilespmem:s0+$0xAA60] =	vst v20;
	v18 =	vadd.f32 v18, v25;
	v20 =	vld [tilespmem:s0+$0xAE50]  }
0x116: {  	[tilespmem:s0+$0xAA70] =	vst v19;
	v17 =	vadd.f32 v17, v24;
	v19 =	vld [tilespmem:s0+$0xAE60]  }
.Ltmp0:
0x117: {  	[tilespmem:s0+$0xAE00] =	vst v18;
	v18 =	vadd.f32 v16, v23;
	v16 =	vld [tilespmem:s0+$0xAE70];
	(pc) =	sbr.rel @p1 .LBB2_3-.Ltmp0, $4  }
0x118: {  	[tilespmem:s0+$0xAE10] =	vst v17;
	v17 =	vadd.f32 v15, v22;
	v15 =	vld [tilespmem:s0+$0xB200]  }
0x119: {  	[tilespmem:s0+$0xAE20] =	vst v18;
	v21 =	vadd.f32 v14, v21;
	v14 =	vld [tilespmem:s0+$0xB210]  }
0x11a: {  	[tilespmem:s0+$0xAE30] =	vst v17;
	v18 =	vadd.f32 v13, v20;
	v13 =	vld [tilespmem:s0+$0xB220]  }
0x11b: {  	s2 =	sadd.s32 $0x1, s2;
	[tilespmem:s0+$0xAE40] =	vst v21;
	v17 =	vadd.f32 v12, v19;
	v12 =	vld [tilespmem:s0+$0xB230]  }
0x11c: {  	[tilespmem:s0+$0xAE50] =	vst v18;
	v60 =	vld [tilespmem:s0+$0xB240];
	v11 =	vadd.f32 v11, v16  }
0x11d: {  	v61 =	vld [tilespmem:s0+$0xB250];
	[tilespmem:s0+$0xAE60] =	vst v17;
	v10 =	vadd.f32 v10, v15  }
0x11e: {  	v62 =	vld [tilespmem:s0+$0xB260];
	[tilespmem:s0+$0xAE70] =	vst v11;
	v9 =	vadd.f32 v9, v14  }
0x11f: {  	v63 =	vld [tilespmem:s0+$0xB270];
	[tilespmem:s0+$0xB200] =	vst v10;
	v8 =	vadd.f32 v8, v13  }
0x120: {  	[tilespmem:s0+$0xB210] =	vst v9;
	v7 =	vadd.f32 v7, v12  }
0x121: {  	[tilespmem:s0+$0xB220] =	vst v8;
	v6 =	vadd.f32 v6, v60  }
0x122: {  	v5 =	vadd.f32 v5, v61;
	[tilespmem:s0+$0xB230] =	vst v7  }
0x123: {  	v4 =	vadd.f32 v4, v62;
	[tilespmem:s0+$0xB240] =	vst v6  }
0x124: {  	s2 =	smul.u32 $0x300, s10;
	s6 =	sadd.s32 $0x1, s6;
	v3 =	vadd.f32 v3, v63;
	[tilespmem:s0+$0xB250] =	vst v5  }
0x125: {  	s10 =	rddreg [dreg:$0x2];
	p1 =	sne.s32 s6, $0xA0;
	[tilespmem:s0+$0xB260] =	vst v4  }
.Ltmp1:
0x126: {  	s11 =	simm.s32 $0x0;
	[tilespmem:s0+$0xB270] =	vst v3;
	s0 =	sadd.s32 s10, s2;
	(pc) =	sbr.rel @p1 .LBB2_2-.Ltmp1, $4  }
0x127: {  	[hbm4b:s0+s11] =	stream.linear.scatter [tilespmem:s14], [sflag:$0x2], $0x7800, $0x38;
	[tilespmem:$0x11600] =	vst v63  }
0x128: {  	_ =	swait.ge [sflag:s13], $0x7800  }
0x129: {  	[sflag:s13] =	ssyncset.done $0x0  }
0x12a: {  	[sflag:s13] =	ssyncadd.s32 $0xFFFF8800  }
0x12b: {  	s2 =	rddreg [dreg:$0x8]  }
0x12c: {  	s0 =	rddreg [dreg:$0x6];
	s2 =	sadd.s32 $0x1, s2  }
0x12d: {  	p1 =	sne.s32 s2, s0  }
.Ltmp2:
0x12e: {  	_ = 	snop;
	(pc) =	sbr.rel @p1 .LBB2_1-.Ltmp2, $1  }
0x12f: {  	_ =	sdelay $0x3  }
0x130: {  	_ =	sfence.sel $0x180000  }
0x131: {  	[bflag:$0x0] =	sbarrier.arrive $0xFFFF  }
0x132: {  	_ =	strace $0x90000047  }
0x133: {  	[bflag:$0x2] =	sbarrier.arrive $0xFFFF  }
0x134: {  	s0 =	rddreg [dreg:$0x4]  }
0x135: {  	s0 =	sadd.s32 @!p0 $0x100000, s0  }
0x136: {  	[sflag:s0] =	ssyncadd.tile.s32 @!p0 $0x1;
	_ =	shalt  }
.Lfunc_end2:
_tile_overlayer_lowered:
.L_overlay_start_2:
0x137: {  	(tag) =	ssettag $0x2  }
0x138: {  	s0 =	rddreg [dreg:$0x0];
	s2 =	stileid.u32  }
0x139: {  	s1 =	rddreg [dreg:$0x1];
	p0 =	sne.s32 s2, $0x0  }
0x13a: {  	s3 =	rddreg [dreg:$0x2];
	[bflag:$0x3] =	sbarrier.arrive $0xFFFF;
	s2 =	simm.s32 @!p0 $0x1C02  }
0x13b: {  	[timem:s3], [sflag:s2] =	dma.local @!p0 [hbm:s0], s1  }
0x13c: {  	s0 =	simm.s32 @!p0 $0x2  }
0x13d: {  	_ =	swait.ge @!p0 [sflag:s0], s1  }
0x13e: {  	s1 =	ssub.s32 @!p0 $0x0, s1;
	[sflag:s0] =	ssyncset.done @!p0 $0x0  }
0x13f: {  	[sflag:s0] =	ssyncadd.s32 @!p0 s1  }
0x140: {  	[bflag:$0x3] =	sbarrier.arrive $0xFFFF  }
0x141: {  	_ =	shalt  }

</sc_bundles>
